<compile_context>
chip_gen: v7x
topology: tpu7x:2x2x1
jax: 0.10.2.dev20260603
libtpu: 0.0.44.dev20260713+nightly
codegen_flags: <defaults>
</compile_context>

<pallas_src>
import functools

import jax
import jax.numpy as jnp
from jax import lax
from jax.experimental import pallas as pl
from jax.experimental.pallas import tpu as pltpu
from jax.experimental.pallas import tpu_sc as plsc

N = 10000
E = 320000
H = 128
G = 64

NC = 2
NS = 16
NW = NC * NS
K = 64
NCH = 160
NST = 4
HC = NCH // NST
NB = 4
EPAD = NW * NCH * K
ND = 16
NA = N + ND
RSTEP = 624
RLEN = 640

R = 1000
GRID = N // R


def _agg_body(h_hbm, srcs_hbm, dsts_hbm, zeros_hbm, out_hbm,
              allis, allid, rows, sems, acc):
    c = lax.axis_index("c")
    s = lax.axis_index("s")
    wid = s * NC + c
    pltpu.sync_copy(zeros_hbm, acc.at[pl.ds(s * RSTEP, RLEN)])
    plsc.subcore_barrier()

    def half(hf, carry):
        pltpu.sync_copy(srcs_hbm.at[wid, pl.ds(hf * HC, HC)], allis)
        pltpu.sync_copy(dsts_hbm.at[wid, pl.ds(hf * HC, HC)], allid)
        for k in range(NB):
            pltpu.async_copy(h_hbm.at[allis.at[k]], rows.at[k], sems.at[k])

        def body(i, carry2):
            base = NB * i
            for k in range(NB):
                j = base + k
                pltpu.make_async_copy(h_hbm.at[allis.at[j]], rows.at[k],
                                      sems.at[k]).wait()
                pltpu.sync_copy(rows.at[k], acc.at[allid.at[j]], add=True)

                @pl.when(j + NB < HC)
                def _():
                    pltpu.async_copy(h_hbm.at[allis.at[j + NB]], rows.at[k],
                                     sems.at[k])
            return carry2

        lax.fori_loop(0, HC // NB, body, 0)
        return carry

    lax.fori_loop(0, NST, half, 0)
    plsc.subcore_barrier()
    pltpu.sync_copy(acc.at[pl.ds(s * RSTEP, RLEN)],
                    out_hbm.at[c, pl.ds(s * RSTEP, RLEN)])


@jax.jit
def _edge_agg(h, srcs, dsts, zeros):
    mesh = plsc.VectorSubcoreMesh(core_axis_name="c", subcore_axis_name="s")
    return pl.kernel(
        _agg_body,
        out_type=jax.ShapeDtypeStruct((NC, N, H), jnp.float32),
        mesh=mesh,
        scratch_types=[
            pltpu.VMEM((HC, K), jnp.int32),
            pltpu.VMEM((HC, K), jnp.int32),
            pltpu.VMEM((NB, K, H), jnp.float32),
            pltpu.SemaphoreType.DMA((NB,)),
            pltpu.VMEM_SHARED((NA, H), jnp.float32),
        ],
    )(h, srcs, dsts, zeros)


def _dense1_body(eps_ref, x_ref, p_ref, w_ref, b_ref, o_ref):
    t = eps_ref[0, 0] * x_ref[...] + p_ref[0] + p_ref[1]
    acc = jnp.dot(t, w_ref[...], preferred_element_type=jnp.float32)
    o_ref[...] = jnp.maximum(acc + b_ref[...], 0.0)


@jax.jit
def _dense1(eps_s, x, p, w, b):
    return pl.pallas_call(
        _dense1_body,
        grid=(GRID,),
        in_specs=[
            pl.BlockSpec(memory_space=pltpu.MemorySpace.SMEM),
            pl.BlockSpec((R, H), lambda i: (i, 0)),
            pl.BlockSpec((NC, R, H), lambda i: (0, i, 0)),
            pl.BlockSpec((H, H), lambda i: (0, 0)),
            pl.BlockSpec((1, H), lambda i: (0, 0)),
        ],
        out_specs=pl.BlockSpec((R, H), lambda i: (i, 0)),
        out_shape=jax.ShapeDtypeStruct((N, H), jnp.float32),
    )(eps_s, x, p, w, b)


def _dense2_body(eps_ref, h_ref, p_ref, w_ref, b_ref, batch_ref,
                 wf_ref, bf_ref, o_ref, sums, counts):
    i = pl.program_id(0)
    t = eps_ref[0, 0] * h_ref[...] + p_ref[0] + p_ref[1]
    h2 = jnp.dot(t, w_ref[...], preferred_element_type=jnp.float32)
    h2 = jnp.maximum(h2 + b_ref[...], 0.0)
    ids = batch_ref[0, 0, :]
    gid = lax.broadcasted_iota(jnp.int32, (G, R), 0)
    mask = (ids[None, :] == gid).astype(jnp.float32)
    psum = jnp.dot(mask, h2, preferred_element_type=jnp.float32)
    pcnt = jnp.broadcast_to(jnp.sum(mask, axis=1, keepdims=True), (G, H))

    @pl.when(i == 0)
    def _():
        sums[...] = psum
        counts[...] = pcnt

    @pl.when(i > 0)
    def _():
        sums[...] += psum
        counts[...] += pcnt

    @pl.when(i == pl.num_programs(0) - 1)
    def _():
        pooled = sums[...] / jnp.maximum(counts[...], 1.0)
        logits = jnp.dot(pooled, wf_ref[...], preferred_element_type=jnp.float32)
        logits = logits + bf_ref[...]
        m = jnp.max(logits, axis=1, keepdims=True)
        lse = jnp.log(jnp.sum(jnp.exp(logits - m), axis=1, keepdims=True)) + m
        o_ref[...] = logits - lse


@jax.jit
def _dense2_pool(eps_s, h1, p, w, b, batch_r, wf, bf):
    return pl.pallas_call(
        _dense2_body,
        grid=(GRID,),
        in_specs=[
            pl.BlockSpec(memory_space=pltpu.MemorySpace.SMEM),
            pl.BlockSpec((R, H), lambda i: (i, 0)),
            pl.BlockSpec((NC, R, H), lambda i: (0, i, 0)),
            pl.BlockSpec((H, H), lambda i: (0, 0)),
            pl.BlockSpec((1, H), lambda i: (0, 0)),
            pl.BlockSpec((1, 1, R), lambda i: (i, 0, 0)),
            pl.BlockSpec((H, 32), lambda i: (0, 0)),
            pl.BlockSpec((1, 32), lambda i: (0, 0)),
        ],
        out_specs=pl.BlockSpec((G, 32), lambda i: (0, 0)),
        out_shape=jax.ShapeDtypeStruct((G, 32), jnp.float32),
        scratch_shapes=[
            pltpu.VMEM((G, H), jnp.float32),
            pltpu.VMEM((G, H), jnp.float32),
        ],
    )(eps_s, h1, p, w, b, batch_r, wf, bf)


def kernel(x, edge_index, batch, eps1, W1, b1, eps2, W2, b2, Wf, bf):
    npad = EPAD - E
    pad_src = (jnp.arange(npad, dtype=jnp.int32) * 37) % N
    pad_dst = N + (jnp.arange(npad, dtype=jnp.int32) % ND)
    srcs = jnp.concatenate([edge_index[0], pad_src]).reshape(NW, NCH, K)
    dsts = jnp.concatenate([edge_index[1], pad_dst]).reshape(NW, NCH, K)
    zeros = jnp.zeros((RLEN, H), dtype=jnp.float32)
    batch_r = batch.reshape(GRID, 1, R)
    e1 = (1.0 + eps1).reshape(1, 1)
    e2 = (1.0 + eps2).reshape(1, 1)
    b1r = b1.reshape(1, H)
    b2r = b2.reshape(1, H)
    bfr = bf.reshape(1, 32)

    p = _edge_agg(x, srcs, dsts, zeros)
    h1 = _dense1(e1, x, p, W1, b1r)
    p2 = _edge_agg(h1, srcs, dsts, zeros)
    return _dense2_pool(e2, h1, p2, W2, b2r, batch_r, Wf, bfr)

# --- scband reference (transcript-rebuilt; emitter-appended) ---
"""Pipeline reference for scband-gin-67551245631639 (READ-ONLY COPY).

The authoritative reference and input builder live on the scoring server;
editing this copy changes nothing except your own understanding.
"""

import jax, jax.numpy as jnp
import numpy as np

N = 10000
E = 320000
F_IN = 128
H = 128
C = 32
G = 64


def setup_inputs(seed: int = 0) -> dict:
    key = jax.random.key(seed)
    ks = jax.random.split(key, 8)
    x = jax.random.normal(ks[0], (N, F_IN), dtype=jnp.float32)
    edge_index = jax.random.randint(ks[1], (2, E), 0, N, dtype=jnp.int32)
    batch = jnp.sort(jax.random.randint(ks[2], (N,), 0, G, dtype=jnp.int32))
    # GINConv 1: eps (train_eps=True, init 0) + Linear(F_IN -> H)
    eps1 = jnp.zeros((), dtype=jnp.float32)
    W1 = (jax.random.normal(ks[3], (F_IN, H), dtype=jnp.float32) / np.sqrt(F_IN)).astype(jnp.float32)
    b1 = jnp.zeros((H,), dtype=jnp.float32)
    # GINConv 2: eps + Linear(H -> H)
    eps2 = jnp.zeros((), dtype=jnp.float32)
    W2 = (jax.random.normal(ks[4], (H, H), dtype=jnp.float32) / np.sqrt(H)).astype(jnp.float32)
    b2 = jnp.zeros((H,), dtype=jnp.float32)
    # final fc: Linear(H -> C)
    Wf = (jax.random.normal(ks[5], (H, C), dtype=jnp.float32) / np.sqrt(H)).astype(jnp.float32)
    bf = jnp.zeros((C,), dtype=jnp.float32)
    return {
        "x": x, "edge_index": edge_index, "batch": batch,
        "eps1": eps1, "W1": W1, "b1": b1,
        "eps2": eps2, "W2": W2, "b2": b2,
        "Wf": Wf, "bf": bf,
    }


def reference(x, edge_index, batch, eps1, W1, b1, eps2, W2, b2, Wf, bf):
    src = edge_index[0]
    dst = edge_index[1]

    def gin_conv(h, eps, W, b):
        # sum aggregation of neighbor messages (scatter-add at dst)
        agg = jax.ops.segment_sum(h[src], dst, num_segments=N)
        out = (1.0 + eps) * h + agg
        return out @ W + b  # nn.Linear applied by GINConv

    h = jax.nn.relu(gin_conv(x, eps1, W1, b1))
    # dropout p=0 -> identity
    h = jax.nn.relu(gin_conv(h, eps2, W2, b2))
    # global_mean_pool over graph ids
    sums = jax.ops.segment_sum(h, batch, num_segments=G)
    counts = jax.ops.segment_sum(jnp.ones((N, 1), dtype=h.dtype), batch, num_segments=G)
    pooled = sums / jnp.maximum(counts, 1.0)
    logits = pooled @ Wf + bf
    return jax.nn.log_softmax(logits, axis=1)

if __name__ == "__main__":
    import jax
    _d = setup_inputs()
    print(jax.jit(kernel)(*tuple(_d.values())))

</pallas_src>

<mosaic_0001>
#map = affine_map<(d0, d1) -> (0, 0)>
#map1 = affine_map<(d0, d1) -> (0, 0, 0)>
module attributes {stable_mosaic.version = 14 : i64} {
  func.func @_agg_body(%arg0: i32, %arg1: i32, %arg2: memref<10000x128xf32, #tpu.memory_space<hbm>>, %arg3: memref<32x160x64xi32, #tpu.memory_space<hbm>>, %arg4: memref<32x160x64xi32, #tpu.memory_space<hbm>>, %arg5: memref<640x128xf32, #tpu.memory_space<hbm>>, %arg6: memref<2x10000x128xf32, #tpu.memory_space<hbm>>, %arg7: memref<40x64xi32, #tpu.memory_space<vmem>>, %arg8: memref<40x64xi32, #tpu.memory_space<vmem>>, %arg9: memref<4x64x128xf32, #tpu.memory_space<vmem>>, %arg10: memref<4x!tpu.dma_semaphore, #tpu.memory_space<semaphore_mem>>, %arg11: memref<10016x128xf32, #tpu.memory_space<vmem_shared>>) attributes {dimension_semantics = [#tpu.dimension_semantics<core_parallel>, #tpu.dimension_semantics<subcore_parallel>], iteration_bounds = array<i64: 2, 16>, scalar_prefetch = 0 : i64, scratch_operands = 5 : i64, tpu.core_type = #tpu.core_type<sc_vector_subcore>, window_params = [{transform_indices = #map}, {transform_indices = #map1}, {transform_indices = #map1}, {transform_indices = #map}, {transform_indices = #map1}]} {
    %mul3A = arith.constant 2 : i32
    %mul3A_0 = arith.muli %arg1, %mul3A : i32
    %add3A = arith.addi %mul3A_0, %arg0 : i32
    %mul3A_1 = arith.constant 624 : i32
    %mul3A_2 = arith.muli %arg1, %mul3A_1 : i32
    "tpu.region"() ({
      %run_scoped3A = tpu.sem_alloc : memref<!tpu.dma_semaphore, #tpu.memory_space<semaphore_mem>>
      %dma_start3A = arith.constant 0 : i32
      %dma_start3A_13 = tpu.memref_slice %arg11[%mul3A_2, %dma_start3A] : memref<10016x128xf32, #tpu.memory_space<vmem_shared>> -> memref<640x128xf32, #tpu.memory_space<vmem_shared>>
      tpu.enqueue_dma source(%arg5 : memref<640x128xf32, #tpu.memory_space<hbm>>) target(%dma_start3A_13 : memref<640x128xf32, #tpu.memory_space<vmem_shared>>) target_semaphore(%run_scoped3A : memref<!tpu.dma_semaphore, #tpu.memory_space<semaphore_mem>>)
      %dma_wait3A = arith.constant 0 : i32
      %dma_wait3A_14 = tpu.memref_slice %arg11[%mul3A_2, %dma_wait3A] : memref<10016x128xf32, #tpu.memory_space<vmem_shared>> -> memref<640x128xf32, #tpu.memory_space<vmem_shared>>
      tpu.wait_dma2 semaphore(%run_scoped3A : memref<!tpu.dma_semaphore, #tpu.memory_space<semaphore_mem>>) src(%arg5 : memref<640x128xf32, #tpu.memory_space<hbm>>) dst(%dma_wait3A_14 : memref<640x128xf32, #tpu.memory_space<vmem_shared>>)
      tpu.yield
    }) : () -> ()
    %barrier3A = arith.constant 0 : index
    tpu.barrier barrier_id(%barrier3A)
    %scan3A = arith.constant 0 : i32
    %scan3A_3 = arith.constant 0 : i32
    %scan3A_4 = arith.constant 4 : i32
    %scan3A_5 = arith.addi %scan3A_3, %scan3A_4 : i32
    %scan3A_6 = arith.constant 1 : i32
    scf.for %scan3A_13 = %scan3A_3 to %scan3A_5 step %scan3A_6  : i32 {
      %mul3A_14 = arith.constant 40 : i32
      %mul3A_15 = arith.muli %scan3A_13, %mul3A_14 : i32
      "tpu.region"() ({
        %run_scoped3A = tpu.sem_alloc : memref<!tpu.dma_semaphore, #tpu.memory_space<semaphore_mem>>
        %dma_start3A_83 = arith.constant 0 : i32
        %dma_start3A_84 = tpu.memref_slice %arg3[%add3A, %mul3A_15, %dma_start3A_83] : memref<32x160x64xi32, #tpu.memory_space<hbm>> -> memref<1x40x64xi32, #tpu.memory_space<hbm>>
        %dma_start3A_85 = tpu.memref_squeeze %dma_start3A_84 : memref<1x40x64xi32, #tpu.memory_space<hbm>> -> memref<40x64xi32, #tpu.memory_space<hbm>>
        %dma_start3A_86 = arith.constant 0 : i32
        %dma_start3A_87 = tpu.memref_slice %arg3[%add3A, %mul3A_15, %dma_start3A_86] : memref<32x160x64xi32, #tpu.memory_space<hbm>> -> memref<1x40x64xi32, #tpu.memory_space<hbm>>
        %dma_start3A_88 = tpu.memref_squeeze %dma_start3A_87 : memref<1x40x64xi32, #tpu.memory_space<hbm>> -> memref<40x64xi32, #tpu.memory_space<hbm>>
        tpu.enqueue_dma source(%dma_start3A_88 : memref<40x64xi32, #tpu.memory_space<hbm>>) target(%arg7 : memref<40x64xi32, #tpu.memory_space<vmem>>) target_semaphore(%run_scoped3A : memref<!tpu.dma_semaphore, #tpu.memory_space<semaphore_mem>>)
        %dma_wait3A = arith.constant 0 : i32
        %dma_wait3A_89 = tpu.memref_slice %arg3[%add3A, %mul3A_15, %dma_wait3A] : memref<32x160x64xi32, #tpu.memory_space<hbm>> -> memref<1x40x64xi32, #tpu.memory_space<hbm>>
        %dma_wait3A_90 = tpu.memref_squeeze %dma_wait3A_89 : memref<1x40x64xi32, #tpu.memory_space<hbm>> -> memref<40x64xi32, #tpu.memory_space<hbm>>
        %dma_wait3A_91 = arith.constant 0 : i32
        %dma_wait3A_92 = tpu.memref_slice %arg3[%add3A, %mul3A_15, %dma_wait3A_91] : memref<32x160x64xi32, #tpu.memory_space<hbm>> -> memref<1x40x64xi32, #tpu.memory_space<hbm>>
        %dma_wait3A_93 = tpu.memref_squeeze %dma_wait3A_92 : memref<1x40x64xi32, #tpu.memory_space<hbm>> -> memref<40x64xi32, #tpu.memory_space<hbm>>
        tpu.wait_dma2 semaphore(%run_scoped3A : memref<!tpu.dma_semaphore, #tpu.memory_space<semaphore_mem>>) src(%dma_wait3A_93 : memref<40x64xi32, #tpu.memory_space<hbm>>) dst(%arg7 : memref<40x64xi32, #tpu.memory_space<vmem>>)
        tpu.yield
      }) : () -> ()
      %mul3A_16 = arith.constant 40 : i32
      %mul3A_17 = arith.muli %scan3A_13, %mul3A_16 : i32
      "tpu.region"() ({
        %run_scoped3A = tpu.sem_alloc : memref<!tpu.dma_semaphore, #tpu.memory_space<semaphore_mem>>
        %dma_start3A_83 = arith.constant 0 : i32
        %dma_start3A_84 = tpu.memref_slice %arg4[%add3A, %mul3A_17, %dma_start3A_83] : memref<32x160x64xi32, #tpu.memory_space<hbm>> -> memref<1x40x64xi32, #tpu.memory_space<hbm>>
        %dma_start3A_85 = tpu.memref_squeeze %dma_start3A_84 : memref<1x40x64xi32, #tpu.memory_space<hbm>> -> memref<40x64xi32, #tpu.memory_space<hbm>>
        %dma_start3A_86 = arith.constant 0 : i32
        %dma_start3A_87 = tpu.memref_slice %arg4[%add3A, %mul3A_17, %dma_start3A_86] : memref<32x160x64xi32, #tpu.memory_space<hbm>> -> memref<1x40x64xi32, #tpu.memory_space<hbm>>
        %dma_start3A_88 = tpu.memref_squeeze %dma_start3A_87 : memref<1x40x64xi32, #tpu.memory_space<hbm>> -> memref<40x64xi32, #tpu.memory_space<hbm>>
        tpu.enqueue_dma source(%dma_start3A_88 : memref<40x64xi32, #tpu.memory_space<hbm>>) target(%arg8 : memref<40x64xi32, #tpu.memory_space<vmem>>) target_semaphore(%run_scoped3A : memref<!tpu.dma_semaphore, #tpu.memory_space<semaphore_mem>>)
        %dma_wait3A = arith.constant 0 : i32
        %dma_wait3A_89 = tpu.memref_slice %arg4[%add3A, %mul3A_17, %dma_wait3A] : memref<32x160x64xi32, #tpu.memory_space<hbm>> -> memref<1x40x64xi32, #tpu.memory_space<hbm>>
        %dma_wait3A_90 = tpu.memref_squeeze %dma_wait3A_89 : memref<1x40x64xi32, #tpu.memory_space<hbm>> -> memref<40x64xi32, #tpu.memory_space<hbm>>
        %dma_wait3A_91 = arith.constant 0 : i32
        %dma_wait3A_92 = tpu.memref_slice %arg4[%add3A, %mul3A_17, %dma_wait3A_91] : memref<32x160x64xi32, #tpu.memory_space<hbm>> -> memref<1x40x64xi32, #tpu.memory_space<hbm>>
        %dma_wait3A_93 = tpu.memref_squeeze %dma_wait3A_92 : memref<1x40x64xi32, #tpu.memory_space<hbm>> -> memref<40x64xi32, #tpu.memory_space<hbm>>
        tpu.wait_dma2 semaphore(%run_scoped3A : memref<!tpu.dma_semaphore, #tpu.memory_space<semaphore_mem>>) src(%dma_wait3A_93 : memref<40x64xi32, #tpu.memory_space<hbm>>) dst(%arg8 : memref<40x64xi32, #tpu.memory_space<vmem>>)
        tpu.yield
      }) : () -> ()
      %dma_start3A = arith.constant 0 : i32
      %dma_start3A_18 = arith.constant 0 : i32
      %dma_start3A_19 = arith.constant 0 : i32
      %dma_start3A_20 = arith.constant 0 : i32
      %dma_start3A_21 = arith.constant 0 : i32
      %dma_start3A_22 = tpu.memref_slice %arg9[%dma_start3A_18, %dma_start3A_20, %dma_start3A_21] : memref<4x64x128xf32, #tpu.memory_space<vmem>> -> memref<1x64x128xf32, #tpu.memory_space<vmem>>
      %dma_start3A_23 = tpu.memref_squeeze %dma_start3A_22 : memref<1x64x128xf32, #tpu.memory_space<vmem>> -> memref<64x128xf32, #tpu.memory_space<vmem>>
      %dma_start3A_24 = arith.constant 0 : i32
      %dma_start3A_25 = tpu.memref_slice %arg7[%dma_start3A, %dma_start3A_24] : memref<40x64xi32, #tpu.memory_space<vmem>> -> memref<1x64xi32, #tpu.memory_space<vmem>>
      %dma_start3A_26 = tpu.memref_squeeze %dma_start3A_25 : memref<1x64xi32, #tpu.memory_space<vmem>> -> memref<64xi32, #tpu.memory_space<vmem>>
      %dma_start3A_27 = arith.constant 0 : i32
      %dma_start3A_28 = arith.constant 0 : i32
      %dma_start3A_29 = tpu.memref_slice %arg2[%dma_start3A_27, %dma_start3A_28] : memref<10000x128xf32, #tpu.memory_space<hbm>> -> memref<10000x128xf32, #tpu.memory_space<hbm>>
      %dma_start3A_30 = tpu.memref_slice %arg10[%dma_start3A_19] : memref<4x!tpu.dma_semaphore, #tpu.memory_space<semaphore_mem>> -> memref<1x!tpu.dma_semaphore, #tpu.memory_space<semaphore_mem>>
      %dma_start3A_31 = tpu.memref_squeeze %dma_start3A_30 : memref<1x!tpu.dma_semaphore, #tpu.memory_space<semaphore_mem>> -> memref<!tpu.dma_semaphore, #tpu.memory_space<semaphore_mem>>
      tpu.enqueue_indirect_dma source(%dma_start3A_29 : memref<10000x128xf32, #tpu.memory_space<hbm>>) target(%dma_start3A_23 : memref<64x128xf32, #tpu.memory_space<vmem>>) offsets(%dma_start3A_26 : memref<64xi32, #tpu.memory_space<vmem>>) semaphore(%dma_start3A_31 : memref<!tpu.dma_semaphore, #tpu.memory_space<semaphore_mem>>)
      %dma_start3A_32 = arith.constant 1 : i32
      %dma_start3A_33 = arith.constant 1 : i32
      %dma_start3A_34 = arith.constant 1 : i32
      %dma_start3A_35 = arith.constant 0 : i32
      %dma_start3A_36 = arith.constant 0 : i32
      %dma_start3A_37 = tpu.memref_slice %arg9[%dma_start3A_33, %dma_start3A_35, %dma_start3A_36] : memref<4x64x128xf32, #tpu.memory_space<vmem>> -> memref<1x64x128xf32, #tpu.memory_space<vmem>>
      %dma_start3A_38 = tpu.memref_squeeze %dma_start3A_37 : memref<1x64x128xf32, #tpu.memory_space<vmem>> -> memref<64x128xf32, #tpu.memory_space<vmem>>
      %dma_start3A_39 = arith.constant 0 : i32
      %dma_start3A_40 = tpu.memref_slice %arg7[%dma_start3A_32, %dma_start3A_39] : memref<40x64xi32, #tpu.memory_space<vmem>> -> memref<1x64xi32, #tpu.memory_space<vmem>>
      %dma_start3A_41 = tpu.memref_squeeze %dma_start3A_40 : memref<1x64xi32, #tpu.memory_space<vmem>> -> memref<64xi32, #tpu.memory_space<vmem>>
      %dma_start3A_42 = arith.constant 0 : i32
      %dma_start3A_43 = arith.constant 0 : i32
      %dma_start3A_44 = tpu.memref_slice %arg2[%dma_start3A_42, %dma_start3A_43] : memref<10000x128xf32, #tpu.memory_space<hbm>> -> memref<10000x128xf32, #tpu.memory_space<hbm>>
      %dma_start3A_45 = tpu.memref_slice %arg10[%dma_start3A_34] : memref<4x!tpu.dma_semaphore, #tpu.memory_space<semaphore_mem>> -> memref<1x!tpu.dma_semaphore, #tpu.memory_space<semaphore_mem>>
      %dma_start3A_46 = tpu.memref_squeeze %dma_start3A_45 : memref<1x!tpu.dma_semaphore, #tpu.memory_space<semaphore_mem>> -> memref<!tpu.dma_semaphore, #tpu.memory_space<semaphore_mem>>
      tpu.enqueue_indirect_dma source(%dma_start3A_44 : memref<10000x128xf32, #tpu.memory_space<hbm>>) target(%dma_start3A_38 : memref<64x128xf32, #tpu.memory_space<vmem>>) offsets(%dma_start3A_41 : memref<64xi32, #tpu.memory_space<vmem>>) semaphore(%dma_start3A_46 : memref<!tpu.dma_semaphore, #tpu.memory_space<semaphore_mem>>)
      %dma_start3A_47 = arith.constant 2 : i32
      %dma_start3A_48 = arith.constant 2 : i32
      %dma_start3A_49 = arith.constant 2 : i32
      %dma_start3A_50 = arith.constant 0 : i32
      %dma_start3A_51 = arith.constant 0 : i32
      %dma_start3A_52 = tpu.memref_slice %arg9[%dma_start3A_48, %dma_start3A_50, %dma_start3A_51] : memref<4x64x128xf32, #tpu.memory_space<vmem>> -> memref<1x64x128xf32, #tpu.memory_space<vmem>>
      %dma_start3A_53 = tpu.memref_squeeze %dma_start3A_52 : memref<1x64x128xf32, #tpu.memory_space<vmem>> -> memref<64x128xf32, #tpu.memory_space<vmem>>
      %dma_start3A_54 = arith.constant 0 : i32
      %dma_start3A_55 = tpu.memref_slice %arg7[%dma_start3A_47, %dma_start3A_54] : memref<40x64xi32, #tpu.memory_space<vmem>> -> memref<1x64xi32, #tpu.memory_space<vmem>>
      %dma_start3A_56 = tpu.memref_squeeze %dma_start3A_55 : memref<1x64xi32, #tpu.memory_space<vmem>> -> memref<64xi32, #tpu.memory_space<vmem>>
      %dma_start3A_57 = arith.constant 0 : i32
      %dma_start3A_58 = arith.constant 0 : i32
      %dma_start3A_59 = tpu.memref_slice %arg2[%dma_start3A_57, %dma_start3A_58] : memref<10000x128xf32, #tpu.memory_space<hbm>> -> memref<10000x128xf32, #tpu.memory_space<hbm>>
      %dma_start3A_60 = tpu.memref_slice %arg10[%dma_start3A_49] : memref<4x!tpu.dma_semaphore, #tpu.memory_space<semaphore_mem>> -> memref<1x!tpu.dma_semaphore, #tpu.memory_space<semaphore_mem>>
      %dma_start3A_61 = tpu.memref_squeeze %dma_start3A_60 : memref<1x!tpu.dma_semaphore, #tpu.memory_space<semaphore_mem>> -> memref<!tpu.dma_semaphore, #tpu.memory_space<semaphore_mem>>
      tpu.enqueue_indirect_dma source(%dma_start3A_59 : memref<10000x128xf32, #tpu.memory_space<hbm>>) target(%dma_start3A_53 : memref<64x128xf32, #tpu.memory_space<vmem>>) offsets(%dma_start3A_56 : memref<64xi32, #tpu.memory_space<vmem>>) semaphore(%dma_start3A_61 : memref<!tpu.dma_semaphore, #tpu.memory_space<semaphore_mem>>)
      %dma_start3A_62 = arith.constant 3 : i32
      %dma_start3A_63 = arith.constant 3 : i32
      %dma_start3A_64 = arith.constant 3 : i32
      %dma_start3A_65 = arith.constant 0 : i32
      %dma_start3A_66 = arith.constant 0 : i32
      %dma_start3A_67 = tpu.memref_slice %arg9[%dma_start3A_63, %dma_start3A_65, %dma_start3A_66] : memref<4x64x128xf32, #tpu.memory_space<vmem>> -> memref<1x64x128xf32, #tpu.memory_space<vmem>>
      %dma_start3A_68 = tpu.memref_squeeze %dma_start3A_67 : memref<1x64x128xf32, #tpu.memory_space<vmem>> -> memref<64x128xf32, #tpu.memory_space<vmem>>
      %dma_start3A_69 = arith.constant 0 : i32
      %dma_start3A_70 = tpu.memref_slice %arg7[%dma_start3A_62, %dma_start3A_69] : memref<40x64xi32, #tpu.memory_space<vmem>> -> memref<1x64xi32, #tpu.memory_space<vmem>>
      %dma_start3A_71 = tpu.memref_squeeze %dma_start3A_70 : memref<1x64xi32, #tpu.memory_space<vmem>> -> memref<64xi32, #tpu.memory_space<vmem>>
      %dma_start3A_72 = arith.constant 0 : i32
      %dma_start3A_73 = arith.constant 0 : i32
      %dma_start3A_74 = tpu.memref_slice %arg2[%dma_start3A_72, %dma_start3A_73] : memref<10000x128xf32, #tpu.memory_space<hbm>> -> memref<10000x128xf32, #tpu.memory_space<hbm>>
      %dma_start3A_75 = tpu.memref_slice %arg10[%dma_start3A_64] : memref<4x!tpu.dma_semaphore, #tpu.memory_space<semaphore_mem>> -> memref<1x!tpu.dma_semaphore, #tpu.memory_space<semaphore_mem>>
      %dma_start3A_76 = tpu.memref_squeeze %dma_start3A_75 : memref<1x!tpu.dma_semaphore, #tpu.memory_space<semaphore_mem>> -> memref<!tpu.dma_semaphore, #tpu.memory_space<semaphore_mem>>
      tpu.enqueue_indirect_dma source(%dma_start3A_74 : memref<10000x128xf32, #tpu.memory_space<hbm>>) target(%dma_start3A_68 : memref<64x128xf32, #tpu.memory_space<vmem>>) offsets(%dma_start3A_71 : memref<64xi32, #tpu.memory_space<vmem>>) semaphore(%dma_start3A_76 : memref<!tpu.dma_semaphore, #tpu.memory_space<semaphore_mem>>)
      %scan3A_77 = arith.constant 0 : i32
      %scan3A_78 = arith.constant 0 : i32
      %scan3A_79 = arith.constant 10 : i32
      %scan3A_80 = arith.addi %scan3A_78, %scan3A_79 : i32
      %scan3A_81 = arith.constant 1 : i32
      scf.for %scan3A_83 = %scan3A_78 to %scan3A_80 step %scan3A_81  : i32 {
        %mul3A_84 = arith.constant 4 : i32
        %mul3A_85 = arith.muli %mul3A_84, %scan3A_83 : i32
        %add3A_86 = arith.constant 0 : i32
        %add3A_87 = arith.addi %mul3A_85, %add3A_86 : i32
        %dma_wait3A = arith.constant 0 : i32
        %dma_wait3A_88 = arith.constant 0 : i32
        %dma_wait3A_89 = arith.constant 0 : i32
        %dma_wait3A_90 = arith.constant 0 : i32
        %dma_wait3A_91 = tpu.memref_slice %arg9[%dma_wait3A, %dma_wait3A_89, %dma_wait3A_90] : memref<4x64x128xf32, #tpu.memory_space<vmem>> -> memref<1x64x128xf32, #tpu.memory_space<vmem>>
        %dma_wait3A_92 = tpu.memref_squeeze %dma_wait3A_91 : memref<1x64x128xf32, #tpu.memory_space<vmem>> -> memref<64x128xf32, #tpu.memory_space<vmem>>
        %dma_wait3A_93 = arith.constant 0 : i32
        %dma_wait3A_94 = tpu.memref_slice %arg7[%add3A_87, %dma_wait3A_93] : memref<40x64xi32, #tpu.memory_space<vmem>> -> memref<1x64xi32, #tpu.memory_space<vmem>>
        %dma_wait3A_95 = tpu.memref_squeeze %dma_wait3A_94 : memref<1x64xi32, #tpu.memory_space<vmem>> -> memref<64xi32, #tpu.memory_space<vmem>>
        %dma_wait3A_96 = arith.constant 0 : i32
        %dma_wait3A_97 = arith.constant 0 : i32
        %dma_wait3A_98 = tpu.memref_slice %arg2[%dma_wait3A_96, %dma_wait3A_97] : memref<10000x128xf32, #tpu.memory_space<hbm>> -> memref<10000x128xf32, #tpu.memory_space<hbm>>
        %dma_wait3A_99 = tpu.memref_slice %arg10[%dma_wait3A_88] : memref<4x!tpu.dma_semaphore, #tpu.memory_space<semaphore_mem>> -> memref<1x!tpu.dma_semaphore, #tpu.memory_space<semaphore_mem>>
        %dma_wait3A_100 = tpu.memref_squeeze %dma_wait3A_99 : memref<1x!tpu.dma_semaphore, #tpu.memory_space<semaphore_mem>> -> memref<!tpu.dma_semaphore, #tpu.memory_space<semaphore_mem>>
        tpu.wait_indirect_dma semaphore(%dma_wait3A_100 : memref<!tpu.dma_semaphore, #tpu.memory_space<semaphore_mem>>) src(%dma_wait3A_98 : memref<10000x128xf32, #tpu.memory_space<hbm>>) dst(%dma_wait3A_92 : memref<64x128xf32, #tpu.memory_space<vmem>>)
        %run_scoped3A = arith.constant 0 : i32
        "tpu.region"() ({
          %run_scoped3A_177 = tpu.sem_alloc : memref<!tpu.dma_semaphore, #tpu.memory_space<semaphore_mem>>
          %dma_start3A_178 = arith.constant 0 : i32
          %dma_start3A_179 = arith.constant 0 : i32
          %dma_start3A_180 = tpu.memref_slice %arg9[%run_scoped3A, %dma_start3A_178, %dma_start3A_179] : memref<4x64x128xf32, #tpu.memory_space<vmem>> -> memref<1x64x128xf32, #tpu.memory_space<vmem>>
          %dma_start3A_181 = tpu.memref_squeeze %dma_start3A_180 : memref<1x64x128xf32, #tpu.memory_space<vmem>> -> memref<64x128xf32, #tpu.memory_space<vmem>>
          %dma_start3A_182 = arith.constant 0 : i32
          %dma_start3A_183 = tpu.memref_slice %arg8[%add3A_87, %dma_start3A_182] : memref<40x64xi32, #tpu.memory_space<vmem>> -> memref<1x64xi32, #tpu.memory_space<vmem>>
          %dma_start3A_184 = tpu.memref_squeeze %dma_start3A_183 : memref<1x64xi32, #tpu.memory_space<vmem>> -> memref<64xi32, #tpu.memory_space<vmem>>
          %dma_start3A_185 = arith.constant 0 : i32
          %dma_start3A_186 = arith.constant 0 : i32
          %dma_start3A_187 = tpu.memref_slice %arg11[%dma_start3A_185, %dma_start3A_186] : memref<10016x128xf32, #tpu.memory_space<vmem_shared>> -> memref<10016x128xf32, #tpu.memory_space<vmem_shared>>
          tpu.enqueue_indirect_dma source(%dma_start3A_181 : memref<64x128xf32, #tpu.memory_space<vmem>>) target(%dma_start3A_187 : memref<10016x128xf32, #tpu.memory_space<vmem_shared>>) offsets(%dma_start3A_184 : memref<64xi32, #tpu.memory_space<vmem>>) semaphore(%run_scoped3A_177 : memref<!tpu.dma_semaphore, #tpu.memory_space<semaphore_mem>>) {add = true}
          %dma_wait3A_188 = arith.constant 0 : i32
          %dma_wait3A_189 = arith.constant 0 : i32
          %dma_wait3A_190 = tpu.memref_slice %arg9[%run_scoped3A, %dma_wait3A_188, %dma_wait3A_189] : memref<4x64x128xf32, #tpu.memory_space<vmem>> -> memref<1x64x128xf32, #tpu.memory_space<vmem>>
          %dma_wait3A_191 = tpu.memref_squeeze %dma_wait3A_190 : memref<1x64x128xf32, #tpu.memory_space<vmem>> -> memref<64x128xf32, #tpu.memory_space<vmem>>
          %dma_wait3A_192 = arith.constant 0 : i32
          %dma_wait3A_193 = tpu.memref_slice %arg8[%add3A_87, %dma_wait3A_192] : memref<40x64xi32, #tpu.memory_space<vmem>> -> memref<1x64xi32, #tpu.memory_space<vmem>>
          %dma_wait3A_194 = tpu.memref_squeeze %dma_wait3A_193 : memref<1x64xi32, #tpu.memory_space<vmem>> -> memref<64xi32, #tpu.memory_space<vmem>>
          %dma_wait3A_195 = arith.constant 0 : i32
          %dma_wait3A_196 = arith.constant 0 : i32
          %dma_wait3A_197 = tpu.memref_slice %arg11[%dma_wait3A_195, %dma_wait3A_196] : memref<10016x128xf32, #tpu.memory_space<vmem_shared>> -> memref<10016x128xf32, #tpu.memory_space<vmem_shared>>
          tpu.wait_indirect_dma semaphore(%run_scoped3A_177 : memref<!tpu.dma_semaphore, #tpu.memory_space<semaphore_mem>>) src(%dma_wait3A_191 : memref<64x128xf32, #tpu.memory_space<vmem>>) dst(%dma_wait3A_197 : memref<10016x128xf32, #tpu.memory_space<vmem_shared>>)
          tpu.yield
        }) : () -> ()
        %add3A_101 = arith.constant 4 : i32
        %add3A_102 = arith.addi %add3A_87, %add3A_101 : i32
        %lt3A = arith.constant 40 : i32
        %lt3A_103 = arith.cmpi slt, %add3A_102, %lt3A : i32
        %convert_element_type3A = arith.extui %lt3A_103 : i1 to i32
        %cond3A = arith.constant 0 : i32
        %cond3A_104 = arith.cmpi ne, %convert_element_type3A, %cond3A : i32
        scf.if %cond3A_104 {
          %add3A_177 = arith.constant 4 : i32
          %add3A_178 = arith.addi %add3A_87, %add3A_177 : i32
          %dma_start3A_179 = arith.constant 0 : i32
          %dma_start3A_180 = arith.constant 0 : i32
          %dma_start3A_181 = arith.constant 0 : i32
          %dma_start3A_182 = arith.constant 0 : i32
          %dma_start3A_183 = tpu.memref_slice %arg9[%dma_start3A_179, %dma_start3A_181, %dma_start3A_182] : memref<4x64x128xf32, #tpu.memory_space<vmem>> -> memref<1x64x128xf32, #tpu.memory_space<vmem>>
          %dma_start3A_184 = tpu.memref_squeeze %dma_start3A_183 : memref<1x64x128xf32, #tpu.memory_space<vmem>> -> memref<64x128xf32, #tpu.memory_space<vmem>>
          %dma_start3A_185 = arith.constant 0 : i32
          %dma_start3A_186 = tpu.memref_slice %arg7[%add3A_178, %dma_start3A_185] : memref<40x64xi32, #tpu.memory_space<vmem>> -> memref<1x64xi32, #tpu.memory_space<vmem>>
          %dma_start3A_187 = tpu.memref_squeeze %dma_start3A_186 : memref<1x64xi32, #tpu.memory_space<vmem>> -> memref<64xi32, #tpu.memory_space<vmem>>
          %dma_start3A_188 = arith.constant 0 : i32
          %dma_start3A_189 = arith.constant 0 : i32
          %dma_start3A_190 = tpu.memref_slice %arg2[%dma_start3A_188, %dma_start3A_189] : memref<10000x128xf32, #tpu.memory_space<hbm>> -> memref<10000x128xf32, #tpu.memory_space<hbm>>
          %dma_start3A_191 = tpu.memref_slice %arg10[%dma_start3A_180] : memref<4x!tpu.dma_semaphore, #tpu.memory_space<semaphore_mem>> -> memref<1x!tpu.dma_semaphore, #tpu.memory_space<semaphore_mem>>
          %dma_start3A_192 = tpu.memref_squeeze %dma_start3A_191 : memref<1x!tpu.dma_semaphore, #tpu.memory_space<semaphore_mem>> -> memref<!tpu.dma_semaphore, #tpu.memory_space<semaphore_mem>>
          tpu.enqueue_indirect_dma source(%dma_start3A_190 : memref<10000x128xf32, #tpu.memory_space<hbm>>) target(%dma_start3A_184 : memref<64x128xf32, #tpu.memory_space<vmem>>) offsets(%dma_start3A_187 : memref<64xi32, #tpu.memory_space<vmem>>) semaphore(%dma_start3A_192 : memref<!tpu.dma_semaphore, #tpu.memory_space<semaphore_mem>>)
        } else {
        }
        %add3A_105 = arith.constant 1 : i32
        %add3A_106 = arith.addi %mul3A_85, %add3A_105 : i32
        %dma_wait3A_107 = arith.constant 1 : i32
        %dma_wait3A_108 = arith.constant 1 : i32
        %dma_wait3A_109 = arith.constant 0 : i32
        %dma_wait3A_110 = arith.constant 0 : i32
        %dma_wait3A_111 = tpu.memref_slice %arg9[%dma_wait3A_107, %dma_wait3A_109, %dma_wait3A_110] : memref<4x64x128xf32, #tpu.memory_space<vmem>> -> memref<1x64x128xf32, #tpu.memory_space<vmem>>
        %dma_wait3A_112 = tpu.memref_squeeze %dma_wait3A_111 : memref<1x64x128xf32, #tpu.memory_space<vmem>> -> memref<64x128xf32, #tpu.memory_space<vmem>>
        %dma_wait3A_113 = arith.constant 0 : i32
        %dma_wait3A_114 = tpu.memref_slice %arg7[%add3A_106, %dma_wait3A_113] : memref<40x64xi32, #tpu.memory_space<vmem>> -> memref<1x64xi32, #tpu.memory_space<vmem>>
        %dma_wait3A_115 = tpu.memref_squeeze %dma_wait3A_114 : memref<1x64xi32, #tpu.memory_space<vmem>> -> memref<64xi32, #tpu.memory_space<vmem>>
        %dma_wait3A_116 = arith.constant 0 : i32
        %dma_wait3A_117 = arith.constant 0 : i32
        %dma_wait3A_118 = tpu.memref_slice %arg2[%dma_wait3A_116, %dma_wait3A_117] : memref<10000x128xf32, #tpu.memory_space<hbm>> -> memref<10000x128xf32, #tpu.memory_space<hbm>>
        %dma_wait3A_119 = tpu.memref_slice %arg10[%dma_wait3A_108] : memref<4x!tpu.dma_semaphore, #tpu.memory_space<semaphore_mem>> -> memref<1x!tpu.dma_semaphore, #tpu.memory_space<semaphore_mem>>
        %dma_wait3A_120 = tpu.memref_squeeze %dma_wait3A_119 : memref<1x!tpu.dma_semaphore, #tpu.memory_space<semaphore_mem>> -> memref<!tpu.dma_semaphore, #tpu.memory_space<semaphore_mem>>
        tpu.wait_indirect_dma semaphore(%dma_wait3A_120 : memref<!tpu.dma_semaphore, #tpu.memory_space<semaphore_mem>>) src(%dma_wait3A_118 : memref<10000x128xf32, #tpu.memory_space<hbm>>) dst(%dma_wait3A_112 : memref<64x128xf32, #tpu.memory_space<vmem>>)
        %run_scoped3A_121 = arith.constant 1 : i32
        "tpu.region"() ({
          %run_scoped3A_177 = tpu.sem_alloc : memref<!tpu.dma_semaphore, #tpu.memory_space<semaphore_mem>>
          %dma_start3A_178 = arith.constant 0 : i32
          %dma_start3A_179 = arith.constant 0 : i32
          %dma_start3A_180 = tpu.memref_slice %arg9[%run_scoped3A_121, %dma_start3A_178, %dma_start3A_179] : memref<4x64x128xf32, #tpu.memory_space<vmem>> -> memref<1x64x128xf32, #tpu.memory_space<vmem>>
          %dma_start3A_181 = tpu.memref_squeeze %dma_start3A_180 : memref<1x64x128xf32, #tpu.memory_space<vmem>> -> memref<64x128xf32, #tpu.memory_space<vmem>>
          %dma_start3A_182 = arith.constant 0 : i32
          %dma_start3A_183 = tpu.memref_slice %arg8[%add3A_106, %dma_start3A_182] : memref<40x64xi32, #tpu.memory_space<vmem>> -> memref<1x64xi32, #tpu.memory_space<vmem>>
          %dma_start3A_184 = tpu.memref_squeeze %dma_start3A_183 : memref<1x64xi32, #tpu.memory_space<vmem>> -> memref<64xi32, #tpu.memory_space<vmem>>
          %dma_start3A_185 = arith.constant 0 : i32
          %dma_start3A_186 = arith.constant 0 : i32
          %dma_start3A_187 = tpu.memref_slice %arg11[%dma_start3A_185, %dma_start3A_186] : memref<10016x128xf32, #tpu.memory_space<vmem_shared>> -> memref<10016x128xf32, #tpu.memory_space<vmem_shared>>
          tpu.enqueue_indirect_dma source(%dma_start3A_181 : memref<64x128xf32, #tpu.memory_space<vmem>>) target(%dma_start3A_187 : memref<10016x128xf32, #tpu.memory_space<vmem_shared>>) offsets(%dma_start3A_184 : memref<64xi32, #tpu.memory_space<vmem>>) semaphore(%run_scoped3A_177 : memref<!tpu.dma_semaphore, #tpu.memory_space<semaphore_mem>>) {add = true}
          %dma_wait3A_188 = arith.constant 0 : i32
          %dma_wait3A_189 = arith.constant 0 : i32
          %dma_wait3A_190 = tpu.memref_slice %arg9[%run_scoped3A_121, %dma_wait3A_188, %dma_wait3A_189] : memref<4x64x128xf32, #tpu.memory_space<vmem>> -> memref<1x64x128xf32, #tpu.memory_space<vmem>>
          %dma_wait3A_191 = tpu.memref_squeeze %dma_wait3A_190 : memref<1x64x128xf32, #tpu.memory_space<vmem>> -> memref<64x128xf32, #tpu.memory_space<vmem>>
          %dma_wait3A_192 = arith.constant 0 : i32
          %dma_wait3A_193 = tpu.memref_slice %arg8[%add3A_106, %dma_wait3A_192] : memref<40x64xi32, #tpu.memory_space<vmem>> -> memref<1x64xi32, #tpu.memory_space<vmem>>
          %dma_wait3A_194 = tpu.memref_squeeze %dma_wait3A_193 : memref<1x64xi32, #tpu.memory_space<vmem>> -> memref<64xi32, #tpu.memory_space<vmem>>
          %dma_wait3A_195 = arith.constant 0 : i32
          %dma_wait3A_196 = arith.constant 0 : i32
          %dma_wait3A_197 = tpu.memref_slice %arg11[%dma_wait3A_195, %dma_wait3A_196] : memref<10016x128xf32, #tpu.memory_space<vmem_shared>> -> memref<10016x128xf32, #tpu.memory_space<vmem_shared>>
          tpu.wait_indirect_dma semaphore(%run_scoped3A_177 : memref<!tpu.dma_semaphore, #tpu.memory_space<semaphore_mem>>) src(%dma_wait3A_191 : memref<64x128xf32, #tpu.memory_space<vmem>>) dst(%dma_wait3A_197 : memref<10016x128xf32, #tpu.memory_space<vmem_shared>>)
          tpu.yield
        }) : () -> ()
        %add3A_122 = arith.constant 4 : i32
        %add3A_123 = arith.addi %add3A_106, %add3A_122 : i32
        %lt3A_124 = arith.constant 40 : i32
        %lt3A_125 = arith.cmpi slt, %add3A_123, %lt3A_124 : i32
        %convert_element_type3A_126 = arith.extui %lt3A_125 : i1 to i32
        %cond3A_127 = arith.constant 0 : i32
        %cond3A_128 = arith.cmpi ne, %convert_element_type3A_126, %cond3A_127 : i32
        scf.if %cond3A_128 {
          %add3A_177 = arith.constant 4 : i32
          %add3A_178 = arith.addi %add3A_106, %add3A_177 : i32
          %dma_start3A_179 = arith.constant 1 : i32
          %dma_start3A_180 = arith.constant 1 : i32
          %dma_start3A_181 = arith.constant 0 : i32
          %dma_start3A_182 = arith.constant 0 : i32
          %dma_start3A_183 = tpu.memref_slice %arg9[%dma_start3A_179, %dma_start3A_181, %dma_start3A_182] : memref<4x64x128xf32, #tpu.memory_space<vmem>> -> memref<1x64x128xf32, #tpu.memory_space<vmem>>
          %dma_start3A_184 = tpu.memref_squeeze %dma_start3A_183 : memref<1x64x128xf32, #tpu.memory_space<vmem>> -> memref<64x128xf32, #tpu.memory_space<vmem>>
          %dma_start3A_185 = arith.constant 0 : i32
          %dma_start3A_186 = tpu.memref_slice %arg7[%add3A_178, %dma_start3A_185] : memref<40x64xi32, #tpu.memory_space<vmem>> -> memref<1x64xi32, #tpu.memory_space<vmem>>
          %dma_start3A_187 = tpu.memref_squeeze %dma_start3A_186 : memref<1x64xi32, #tpu.memory_space<vmem>> -> memref<64xi32, #tpu.memory_space<vmem>>
          %dma_start3A_188 = arith.constant 0 : i32
          %dma_start3A_189 = arith.constant 0 : i32
          %dma_start3A_190 = tpu.memref_slice %arg2[%dma_start3A_188, %dma_start3A_189] : memref<10000x128xf32, #tpu.memory_space<hbm>> -> memref<10000x128xf32, #tpu.memory_space<hbm>>
          %dma_start3A_191 = tpu.memref_slice %arg10[%dma_start3A_180] : memref<4x!tpu.dma_semaphore, #tpu.memory_space<semaphore_mem>> -> memref<1x!tpu.dma_semaphore, #tpu.memory_space<semaphore_mem>>
          %dma_start3A_192 = tpu.memref_squeeze %dma_start3A_191 : memref<1x!tpu.dma_semaphore, #tpu.memory_space<semaphore_mem>> -> memref<!tpu.dma_semaphore, #tpu.memory_space<semaphore_mem>>
          tpu.enqueue_indirect_dma source(%dma_start3A_190 : memref<10000x128xf32, #tpu.memory_space<hbm>>) target(%dma_start3A_184 : memref<64x128xf32, #tpu.memory_space<vmem>>) offsets(%dma_start3A_187 : memref<64xi32, #tpu.memory_space<vmem>>) semaphore(%dma_start3A_192 : memref<!tpu.dma_semaphore, #tpu.memory_space<semaphore_mem>>)
        } else {
        }
        %add3A_129 = arith.constant 2 : i32
        %add3A_130 = arith.addi %mul3A_85, %add3A_129 : i32
        %dma_wait3A_131 = arith.constant 2 : i32
        %dma_wait3A_132 = arith.constant 2 : i32
        %dma_wait3A_133 = arith.constant 0 : i32
        %dma_wait3A_134 = arith.constant 0 : i32
        %dma_wait3A_135 = tpu.memref_slice %arg9[%dma_wait3A_131, %dma_wait3A_133, %dma_wait3A_134] : memref<4x64x128xf32, #tpu.memory_space<vmem>> -> memref<1x64x128xf32, #tpu.memory_space<vmem>>
        %dma_wait3A_136 = tpu.memref_squeeze %dma_wait3A_135 : memref<1x64x128xf32, #tpu.memory_space<vmem>> -> memref<64x128xf32, #tpu.memory_space<vmem>>
        %dma_wait3A_137 = arith.constant 0 : i32
        %dma_wait3A_138 = tpu.memref_slice %arg7[%add3A_130, %dma_wait3A_137] : memref<40x64xi32, #tpu.memory_space<vmem>> -> memref<1x64xi32, #tpu.memory_space<vmem>>
        %dma_wait3A_139 = tpu.memref_squeeze %dma_wait3A_138 : memref<1x64xi32, #tpu.memory_space<vmem>> -> memref<64xi32, #tpu.memory_space<vmem>>
        %dma_wait3A_140 = arith.constant 0 : i32
        %dma_wait3A_141 = arith.constant 0 : i32
        %dma_wait3A_142 = tpu.memref_slice %arg2[%dma_wait3A_140, %dma_wait3A_141] : memref<10000x128xf32, #tpu.memory_space<hbm>> -> memref<10000x128xf32, #tpu.memory_space<hbm>>
        %dma_wait3A_143 = tpu.memref_slice %arg10[%dma_wait3A_132] : memref<4x!tpu.dma_semaphore, #tpu.memory_space<semaphore_mem>> -> memref<1x!tpu.dma_semaphore, #tpu.memory_space<semaphore_mem>>
        %dma_wait3A_144 = tpu.memref_squeeze %dma_wait3A_143 : memref<1x!tpu.dma_semaphore, #tpu.memory_space<semaphore_mem>> -> memref<!tpu.dma_semaphore, #tpu.memory_space<semaphore_mem>>
        tpu.wait_indirect_dma semaphore(%dma_wait3A_144 : memref<!tpu.dma_semaphore, #tpu.memory_space<semaphore_mem>>) src(%dma_wait3A_142 : memref<10000x128xf32, #tpu.memory_space<hbm>>) dst(%dma_wait3A_136 : memref<64x128xf32, #tpu.memory_space<vmem>>)
        %run_scoped3A_145 = arith.constant 2 : i32
        "tpu.region"() ({
          %run_scoped3A_177 = tpu.sem_alloc : memref<!tpu.dma_semaphore, #tpu.memory_space<semaphore_mem>>
          %dma_start3A_178 = arith.constant 0 : i32
          %dma_start3A_179 = arith.constant 0 : i32
          %dma_start3A_180 = tpu.memref_slice %arg9[%run_scoped3A_145, %dma_start3A_178, %dma_start3A_179] : memref<4x64x128xf32, #tpu.memory_space<vmem>> -> memref<1x64x128xf32, #tpu.memory_space<vmem>>
          %dma_start3A_181 = tpu.memref_squeeze %dma_start3A_180 : memref<1x64x128xf32, #tpu.memory_space<vmem>> -> memref<64x128xf32, #tpu.memory_space<vmem>>
          %dma_start3A_182 = arith.constant 0 : i32
          %dma_start3A_183 = tpu.memref_slice %arg8[%add3A_130, %dma_start3A_182] : memref<40x64xi32, #tpu.memory_space<vmem>> -> memref<1x64xi32, #tpu.memory_space<vmem>>
          %dma_start3A_184 = tpu.memref_squeeze %dma_start3A_183 : memref<1x64xi32, #tpu.memory_space<vmem>> -> memref<64xi32, #tpu.memory_space<vmem>>
          %dma_start3A_185 = arith.constant 0 : i32
          %dma_start3A_186 = arith.constant 0 : i32
          %dma_start3A_187 = tpu.memref_slice %arg11[%dma_start3A_185, %dma_start3A_186] : memref<10016x128xf32, #tpu.memory_space<vmem_shared>> -> memref<10016x128xf32, #tpu.memory_space<vmem_shared>>
          tpu.enqueue_indirect_dma source(%dma_start3A_181 : memref<64x128xf32, #tpu.memory_space<vmem>>) target(%dma_start3A_187 : memref<10016x128xf32, #tpu.memory_space<vmem_shared>>) offsets(%dma_start3A_184 : memref<64xi32, #tpu.memory_space<vmem>>) semaphore(%run_scoped3A_177 : memref<!tpu.dma_semaphore, #tpu.memory_space<semaphore_mem>>) {add = true}
          %dma_wait3A_188 = arith.constant 0 : i32
          %dma_wait3A_189 = arith.constant 0 : i32
          %dma_wait3A_190 = tpu.memref_slice %arg9[%run_scoped3A_145, %dma_wait3A_188, %dma_wait3A_189] : memref<4x64x128xf32, #tpu.memory_space<vmem>> -> memref<1x64x128xf32, #tpu.memory_space<vmem>>
          %dma_wait3A_191 = tpu.memref_squeeze %dma_wait3A_190 : memref<1x64x128xf32, #tpu.memory_space<vmem>> -> memref<64x128xf32, #tpu.memory_space<vmem>>
          %dma_wait3A_192 = arith.constant 0 : i32
          %dma_wait3A_193 = tpu.memref_slice %arg8[%add3A_130, %dma_wait3A_192] : memref<40x64xi32, #tpu.memory_space<vmem>> -> memref<1x64xi32, #tpu.memory_space<vmem>>
          %dma_wait3A_194 = tpu.memref_squeeze %dma_wait3A_193 : memref<1x64xi32, #tpu.memory_space<vmem>> -> memref<64xi32, #tpu.memory_space<vmem>>
          %dma_wait3A_195 = arith.constant 0 : i32
          %dma_wait3A_196 = arith.constant 0 : i32
          %dma_wait3A_197 = tpu.memref_slice %arg11[%dma_wait3A_195, %dma_wait3A_196] : memref<10016x128xf32, #tpu.memory_space<vmem_shared>> -> memref<10016x128xf32, #tpu.memory_space<vmem_shared>>
          tpu.wait_indirect_dma semaphore(%run_scoped3A_177 : memref<!tpu.dma_semaphore, #tpu.memory_space<semaphore_mem>>) src(%dma_wait3A_191 : memref<64x128xf32, #tpu.memory_space<vmem>>) dst(%dma_wait3A_197 : memref<10016x128xf32, #tpu.memory_space<vmem_shared>>)
          tpu.yield
        }) : () -> ()
        %add3A_146 = arith.constant 4 : i32
        %add3A_147 = arith.addi %add3A_130, %add3A_146 : i32
        %lt3A_148 = arith.constant 40 : i32
        %lt3A_149 = arith.cmpi slt, %add3A_147, %lt3A_148 : i32
        %convert_element_type3A_150 = arith.extui %lt3A_149 : i1 to i32
        %cond3A_151 = arith.constant 0 : i32
        %cond3A_152 = arith.cmpi ne, %convert_element_type3A_150, %cond3A_151 : i32
        scf.if %cond3A_152 {
          %add3A_177 = arith.constant 4 : i32
          %add3A_178 = arith.addi %add3A_130, %add3A_177 : i32
          %dma_start3A_179 = arith.constant 2 : i32
          %dma_start3A_180 = arith.constant 2 : i32
          %dma_start3A_181 = arith.constant 0 : i32
          %dma_start3A_182 = arith.constant 0 : i32
          %dma_start3A_183 = tpu.memref_slice %arg9[%dma_start3A_179, %dma_start3A_181, %dma_start3A_182] : memref<4x64x128xf32, #tpu.memory_space<vmem>> -> memref<1x64x128xf32, #tpu.memory_space<vmem>>
          %dma_start3A_184 = tpu.memref_squeeze %dma_start3A_183 : memref<1x64x128xf32, #tpu.memory_space<vmem>> -> memref<64x128xf32, #tpu.memory_space<vmem>>
          %dma_start3A_185 = arith.constant 0 : i32
          %dma_start3A_186 = tpu.memref_slice %arg7[%add3A_178, %dma_start3A_185] : memref<40x64xi32, #tpu.memory_space<vmem>> -> memref<1x64xi32, #tpu.memory_space<vmem>>
          %dma_start3A_187 = tpu.memref_squeeze %dma_start3A_186 : memref<1x64xi32, #tpu.memory_space<vmem>> -> memref<64xi32, #tpu.memory_space<vmem>>
          %dma_start3A_188 = arith.constant 0 : i32
          %dma_start3A_189 = arith.constant 0 : i32
          %dma_start3A_190 = tpu.memref_slice %arg2[%dma_start3A_188, %dma_start3A_189] : memref<10000x128xf32, #tpu.memory_space<hbm>> -> memref<10000x128xf32, #tpu.memory_space<hbm>>
          %dma_start3A_191 = tpu.memref_slice %arg10[%dma_start3A_180] : memref<4x!tpu.dma_semaphore, #tpu.memory_space<semaphore_mem>> -> memref<1x!tpu.dma_semaphore, #tpu.memory_space<semaphore_mem>>
          %dma_start3A_192 = tpu.memref_squeeze %dma_start3A_191 : memref<1x!tpu.dma_semaphore, #tpu.memory_space<semaphore_mem>> -> memref<!tpu.dma_semaphore, #tpu.memory_space<semaphore_mem>>
          tpu.enqueue_indirect_dma source(%dma_start3A_190 : memref<10000x128xf32, #tpu.memory_space<hbm>>) target(%dma_start3A_184 : memref<64x128xf32, #tpu.memory_space<vmem>>) offsets(%dma_start3A_187 : memref<64xi32, #tpu.memory_space<vmem>>) semaphore(%dma_start3A_192 : memref<!tpu.dma_semaphore, #tpu.memory_space<semaphore_mem>>)
        } else {
        }
        %add3A_153 = arith.constant 3 : i32
        %add3A_154 = arith.addi %mul3A_85, %add3A_153 : i32
        %dma_wait3A_155 = arith.constant 3 : i32
        %dma_wait3A_156 = arith.constant 3 : i32
        %dma_wait3A_157 = arith.constant 0 : i32
        %dma_wait3A_158 = arith.constant 0 : i32
        %dma_wait3A_159 = tpu.memref_slice %arg9[%dma_wait3A_155, %dma_wait3A_157, %dma_wait3A_158] : memref<4x64x128xf32, #tpu.memory_space<vmem>> -> memref<1x64x128xf32, #tpu.memory_space<vmem>>
        %dma_wait3A_160 = tpu.memref_squeeze %dma_wait3A_159 : memref<1x64x128xf32, #tpu.memory_space<vmem>> -> memref<64x128xf32, #tpu.memory_space<vmem>>
        %dma_wait3A_161 = arith.constant 0 : i32
        %dma_wait3A_162 = tpu.memref_slice %arg7[%add3A_154, %dma_wait3A_161] : memref<40x64xi32, #tpu.memory_space<vmem>> -> memref<1x64xi32, #tpu.memory_space<vmem>>
        %dma_wait3A_163 = tpu.memref_squeeze %dma_wait3A_162 : memref<1x64xi32, #tpu.memory_space<vmem>> -> memref<64xi32, #tpu.memory_space<vmem>>
        %dma_wait3A_164 = arith.constant 0 : i32
        %dma_wait3A_165 = arith.constant 0 : i32
        %dma_wait3A_166 = tpu.memref_slice %arg2[%dma_wait3A_164, %dma_wait3A_165] : memref<10000x128xf32, #tpu.memory_space<hbm>> -> memref<10000x128xf32, #tpu.memory_space<hbm>>
        %dma_wait3A_167 = tpu.memref_slice %arg10[%dma_wait3A_156] : memref<4x!tpu.dma_semaphore, #tpu.memory_space<semaphore_mem>> -> memref<1x!tpu.dma_semaphore, #tpu.memory_space<semaphore_mem>>
        %dma_wait3A_168 = tpu.memref_squeeze %dma_wait3A_167 : memref<1x!tpu.dma_semaphore, #tpu.memory_space<semaphore_mem>> -> memref<!tpu.dma_semaphore, #tpu.memory_space<semaphore_mem>>
        tpu.wait_indirect_dma semaphore(%dma_wait3A_168 : memref<!tpu.dma_semaphore, #tpu.memory_space<semaphore_mem>>) src(%dma_wait3A_166 : memref<10000x128xf32, #tpu.memory_space<hbm>>) dst(%dma_wait3A_160 : memref<64x128xf32, #tpu.memory_space<vmem>>)
        %run_scoped3A_169 = arith.constant 3 : i32
        "tpu.region"() ({
          %run_scoped3A_177 = tpu.sem_alloc : memref<!tpu.dma_semaphore, #tpu.memory_space<semaphore_mem>>
          %dma_start3A_178 = arith.constant 0 : i32
          %dma_start3A_179 = arith.constant 0 : i32
          %dma_start3A_180 = tpu.memref_slice %arg9[%run_scoped3A_169, %dma_start3A_178, %dma_start3A_179] : memref<4x64x128xf32, #tpu.memory_space<vmem>> -> memref<1x64x128xf32, #tpu.memory_space<vmem>>
          %dma_start3A_181 = tpu.memref_squeeze %dma_start3A_180 : memref<1x64x128xf32, #tpu.memory_space<vmem>> -> memref<64x128xf32, #tpu.memory_space<vmem>>
          %dma_start3A_182 = arith.constant 0 : i32
          %dma_start3A_183 = tpu.memref_slice %arg8[%add3A_154, %dma_start3A_182] : memref<40x64xi32, #tpu.memory_space<vmem>> -> memref<1x64xi32, #tpu.memory_space<vmem>>
          %dma_start3A_184 = tpu.memref_squeeze %dma_start3A_183 : memref<1x64xi32, #tpu.memory_space<vmem>> -> memref<64xi32, #tpu.memory_space<vmem>>
          %dma_start3A_185 = arith.constant 0 : i32
          %dma_start3A_186 = arith.constant 0 : i32
          %dma_start3A_187 = tpu.memref_slice %arg11[%dma_start3A_185, %dma_start3A_186] : memref<10016x128xf32, #tpu.memory_space<vmem_shared>> -> memref<10016x128xf32, #tpu.memory_space<vmem_shared>>
          tpu.enqueue_indirect_dma source(%dma_start3A_181 : memref<64x128xf32, #tpu.memory_space<vmem>>) target(%dma_start3A_187 : memref<10016x128xf32, #tpu.memory_space<vmem_shared>>) offsets(%dma_start3A_184 : memref<64xi32, #tpu.memory_space<vmem>>) semaphore(%run_scoped3A_177 : memref<!tpu.dma_semaphore, #tpu.memory_space<semaphore_mem>>) {add = true}
          %dma_wait3A_188 = arith.constant 0 : i32
          %dma_wait3A_189 = arith.constant 0 : i32
          %dma_wait3A_190 = tpu.memref_slice %arg9[%run_scoped3A_169, %dma_wait3A_188, %dma_wait3A_189] : memref<4x64x128xf32, #tpu.memory_space<vmem>> -> memref<1x64x128xf32, #tpu.memory_space<vmem>>
          %dma_wait3A_191 = tpu.memref_squeeze %dma_wait3A_190 : memref<1x64x128xf32, #tpu.memory_space<vmem>> -> memref<64x128xf32, #tpu.memory_space<vmem>>
          %dma_wait3A_192 = arith.constant 0 : i32
          %dma_wait3A_193 = tpu.memref_slice %arg8[%add3A_154, %dma_wait3A_192] : memref<40x64xi32, #tpu.memory_space<vmem>> -> memref<1x64xi32, #tpu.memory_space<vmem>>
          %dma_wait3A_194 = tpu.memref_squeeze %dma_wait3A_193 : memref<1x64xi32, #tpu.memory_space<vmem>> -> memref<64xi32, #tpu.memory_space<vmem>>
          %dma_wait3A_195 = arith.constant 0 : i32
          %dma_wait3A_196 = arith.constant 0 : i32
          %dma_wait3A_197 = tpu.memref_slice %arg11[%dma_wait3A_195, %dma_wait3A_196] : memref<10016x128xf32, #tpu.memory_space<vmem_shared>> -> memref<10016x128xf32, #tpu.memory_space<vmem_shared>>
          tpu.wait_indirect_dma semaphore(%run_scoped3A_177 : memref<!tpu.dma_semaphore, #tpu.memory_space<semaphore_mem>>) src(%dma_wait3A_191 : memref<64x128xf32, #tpu.memory_space<vmem>>) dst(%dma_wait3A_197 : memref<10016x128xf32, #tpu.memory_space<vmem_shared>>)
          tpu.yield
        }) : () -> ()
        %add3A_170 = arith.constant 4 : i32
        %add3A_171 = arith.addi %add3A_154, %add3A_170 : i32
        %lt3A_172 = arith.constant 40 : i32
        %lt3A_173 = arith.cmpi slt, %add3A_171, %lt3A_172 : i32
        %convert_element_type3A_174 = arith.extui %lt3A_173 : i1 to i32
        %cond3A_175 = arith.constant 0 : i32
        %cond3A_176 = arith.cmpi ne, %convert_element_type3A_174, %cond3A_175 : i32
        scf.if %cond3A_176 {
          %add3A_177 = arith.constant 4 : i32
          %add3A_178 = arith.addi %add3A_154, %add3A_177 : i32
          %dma_start3A_179 = arith.constant 3 : i32
          %dma_start3A_180 = arith.constant 3 : i32
          %dma_start3A_181 = arith.constant 0 : i32
          %dma_start3A_182 = arith.constant 0 : i32
          %dma_start3A_183 = tpu.memref_slice %arg9[%dma_start3A_179, %dma_start3A_181, %dma_start3A_182] : memref<4x64x128xf32, #tpu.memory_space<vmem>> -> memref<1x64x128xf32, #tpu.memory_space<vmem>>
          %dma_start3A_184 = tpu.memref_squeeze %dma_start3A_183 : memref<1x64x128xf32, #tpu.memory_space<vmem>> -> memref<64x128xf32, #tpu.memory_space<vmem>>
          %dma_start3A_185 = arith.constant 0 : i32
          %dma_start3A_186 = tpu.memref_slice %arg7[%add3A_178, %dma_start3A_185] : memref<40x64xi32, #tpu.memory_space<vmem>> -> memref<1x64xi32, #tpu.memory_space<vmem>>
          %dma_start3A_187 = tpu.memref_squeeze %dma_start3A_186 : memref<1x64xi32, #tpu.memory_space<vmem>> -> memref<64xi32, #tpu.memory_space<vmem>>
          %dma_start3A_188 = arith.constant 0 : i32
          %dma_start3A_189 = arith.constant 0 : i32
          %dma_start3A_190 = tpu.memref_slice %arg2[%dma_start3A_188, %dma_start3A_189] : memref<10000x128xf32, #tpu.memory_space<hbm>> -> memref<10000x128xf32, #tpu.memory_space<hbm>>
          %dma_start3A_191 = tpu.memref_slice %arg10[%dma_start3A_180] : memref<4x!tpu.dma_semaphore, #tpu.memory_space<semaphore_mem>> -> memref<1x!tpu.dma_semaphore, #tpu.memory_space<semaphore_mem>>
          %dma_start3A_192 = tpu.memref_squeeze %dma_start3A_191 : memref<1x!tpu.dma_semaphore, #tpu.memory_space<semaphore_mem>> -> memref<!tpu.dma_semaphore, #tpu.memory_space<semaphore_mem>>
          tpu.enqueue_indirect_dma source(%dma_start3A_190 : memref<10000x128xf32, #tpu.memory_space<hbm>>) target(%dma_start3A_184 : memref<64x128xf32, #tpu.memory_space<vmem>>) offsets(%dma_start3A_187 : memref<64xi32, #tpu.memory_space<vmem>>) semaphore(%dma_start3A_192 : memref<!tpu.dma_semaphore, #tpu.memory_space<semaphore_mem>>)
        } else {
        }
      }
      %scan3A_82 = arith.constant 10 : i32
    }
    %scan3A_7 = arith.constant 4 : i32
    %barrier3A_8 = arith.constant 0 : index
    tpu.barrier barrier_id(%barrier3A_8)
    %mul3A_9 = arith.constant 624 : i32
    %mul3A_10 = arith.muli %arg1, %mul3A_9 : i32
    %mul3A_11 = arith.constant 624 : i32
    %mul3A_12 = arith.muli %arg1, %mul3A_11 : i32
    "tpu.region"() ({
      %run_scoped3A = tpu.sem_alloc : memref<!tpu.dma_semaphore, #tpu.memory_space<semaphore_mem>>
      %dma_start3A = arith.constant 0 : i32
      %dma_start3A_13 = tpu.memref_slice %arg6[%arg0, %mul3A_12, %dma_start3A] : memref<2x10000x128xf32, #tpu.memory_space<hbm>> -> memref<1x640x128xf32, #tpu.memory_space<hbm>>
      %dma_start3A_14 = tpu.memref_squeeze %dma_start3A_13 : memref<1x640x128xf32, #tpu.memory_space<hbm>> -> memref<640x128xf32, #tpu.memory_space<hbm>>
      %dma_start3A_15 = arith.constant 0 : i32
      %dma_start3A_16 = tpu.memref_slice %arg11[%mul3A_10, %dma_start3A_15] : memref<10016x128xf32, #tpu.memory_space<vmem_shared>> -> memref<640x128xf32, #tpu.memory_space<vmem_shared>>
      tpu.enqueue_dma source(%dma_start3A_16 : memref<640x128xf32, #tpu.memory_space<vmem_shared>>) target(%dma_start3A_14 : memref<640x128xf32, #tpu.memory_space<hbm>>) target_semaphore(%run_scoped3A : memref<!tpu.dma_semaphore, #tpu.memory_space<semaphore_mem>>)
      %dma_wait3A = arith.constant 0 : i32
      %dma_wait3A_17 = tpu.memref_slice %arg6[%arg0, %mul3A_12, %dma_wait3A] : memref<2x10000x128xf32, #tpu.memory_space<hbm>> -> memref<1x640x128xf32, #tpu.memory_space<hbm>>
      %dma_wait3A_18 = tpu.memref_squeeze %dma_wait3A_17 : memref<1x640x128xf32, #tpu.memory_space<hbm>> -> memref<640x128xf32, #tpu.memory_space<hbm>>
      %dma_wait3A_19 = arith.constant 0 : i32
      %dma_wait3A_20 = tpu.memref_slice %arg11[%mul3A_10, %dma_wait3A_19] : memref<10016x128xf32, #tpu.memory_space<vmem_shared>> -> memref<640x128xf32, #tpu.memory_space<vmem_shared>>
      tpu.wait_dma2 semaphore(%run_scoped3A : memref<!tpu.dma_semaphore, #tpu.memory_space<semaphore_mem>>) src(%dma_wait3A_20 : memref<640x128xf32, #tpu.memory_space<vmem_shared>>) dst(%dma_wait3A_18 : memref<640x128xf32, #tpu.memory_space<hbm>>)
      tpu.yield
    }) : () -> ()
    return
  }
}

</mosaic_0001>

<sc_bundles>
// kernel: _edge_agg.3.cloned.1.call-start
scs
__scs_entry_jumppad:
0x0: {  	(pc) =	sbr.rel $0x88, $3  }
0x1: {  	(tag) =	ssettag $0x0;
	lr =	simm.s32 $0x1  }
0x2: {  	[smem:$0x3F9D] =	sst lr;
	_ =	strace $0xD0000000  }
0x3: {  	_ = 	snop  }
0x4: {  	_ = 	snop  }
0x5: {  	_ = 	snop  }
0x6: {  	_ = 	snop  }
0x7: {  	_ = 	snop  }
__scs_overlays_trampoline_lowered:
0x8: {  	[smem:$0x3FAC] =	sst s0  }
0x9: {  	[smem:$0x3FAD] =	sst s1  }
0xa: {  	[smem:$0x3FAE] =	sst s2  }
0xb: {  	[smem:$0x3FAF] =	sst s3  }
0xc: {  	[smem:$0x3FB0] =	sst s4  }
0xd: {  	[smem:$0x3FB1] =	sst s5  }
0xe: {  	[smem:$0x3FB2] =	sst s6  }
0xf: {  	[smem:$0x3FB3] =	sst s7  }
0x10: {  	[smem:$0x3FB4] =	sst s8  }
0x11: {  	[smem:$0x3FB5] =	sst s9;
	s0 =	simm.s32 @!p0 $0x0  }
0x12: {  	s1 =	sld [smem:$0x3F9B];
	s0 =	simm.s32 @p0 $0x1  }
0x13: {  	[smem:$0x3FB6] =	sst s0;
	s0 =	simm.s32 @!p1 $0x0  }
0x14: {  	s2 =	sld [smem:$0x3F9A];
	s0 =	simm.s32 @p1 $0x1  }
0x15: {  	[smem:$0x3FB7] =	sst s0;
	s0 =	simm.s32 @!p2 $0x0  }
0x16: {  	s3 =	sld [smem:$0x3FDB];
	s0 =	simm.s32 @p2 $0x1  }
0x17: {  	s4 =	simm.s32 $0x1BF5;
	[smem:$0x3FB9] =	sst s0  }
0x18: {  	s0 =	sld [smem:$0x3F9C];
	_ =	swait.ge [sflag:s4], $0x0  }
0x19: {  	s7 =	sld [smem:$0x3F9D]  }
0x1a: {  	s8 =	sadd.s32 $0xFFFFE003, lr  }
0x1b: {  	s9 =	sadd.s32 $0xFFFFFEF7, lr;
	s5 =	simm.s32 $0xFFFFFFFF;
	p2 =	slt.u32 s8, $0xFFFFF086  }
0x1c: {  	p1 =	slt.u32 s9, $0xF7A;
	s5 =	simm.s32 @!p2 $0x0  }
0x1d: {  	s5 =	simm.s32 @p1 $0x1;
	p0 =	seq.s32 s7, s2  }
0x1e: {  	s7 =	smul.u32 @!p0 $0xF7A, s2;
	p2 =	seq.s32 @!p0 s5, $0x0  }
0x1f: {  	s9 =	smul.u32 $0xF7A, s1;
	s8 =	simm.s32 @!p0 $0x1BF5;
	p2 =	por !p2, p0  }
0x20: {  	[sflag:s8] =	ssyncset.s32 @!p0 $0xFFFFF086;
	s6 =	sadd.s32 @!p0 s3, s7;
	s7 =	simm.s32 @!p0 $0x108  }
0x21: {  	s3 =	sadd.s32 s3, s9;
	s6 =	sadd.s32 @!p0 $0x88, s6;
	s7 =	simm.s32 @p2 $0x1082  }
0x22: {  	[simem:s7], [sflag:s8] =	dma.local @!p0 [hbm:s6], $0xF7A  }
0x23: {  	s9 =	sor.u32 $0xD0000000, s2;
	s6 =	simm.s32 $0x108;
	_ =	swait.ge @!p0 [sflag:s8], $0x0  }
0x24: {  	s3 =	sadd.s32 $0x88, s3;
	s6 =	simm.s32 @!p1 $0x1082;
	[sflag:s4] =	ssyncset.s32 $0xFFFFF086  }
0x25: {  	[simem:s6], [sflag:s4] =	dma.local [hbm:s3], $0xF7A  }
0x26: {  	[smem:$0x3F9D] =	sst s1;
	(tag) =	ssettag s2;
	_ =	strace s9  }
0x27: {  	s1 =	sld [smem:$0x3FAD]  }
0x28: {  	s2 =	sld [smem:$0x3FAE]  }
0x29: {  	s4 =	sld [smem:$0x3FB0]  }
0x2a: {  	p0 =	seq.s32 s5, $0x0;
	s5 =	sld [smem:$0x3FB1]  }
0x2b: {  	s6 =	sld [smem:$0x3FB2]  }
0x2c: {  	s7 =	sld [smem:$0x3FB3]  }
0x2d: {  	s3 =	simm.s32 $0x108;
	s8 =	sld [smem:$0x3FB4]  }
0x2e: {  	s3 =	simm.s32 @!p0 $0x1082;
	s9 =	sld [smem:$0x3FB5]  }
0x2f: {  	lr =	sadd.s32 s0, s3;
	s0 =	sld [smem:$0x3FAC]  }
0x30: {  	s3 =	sld [smem:$0x3FAF]  }
0x31: {  	[smem:$0x3FB8] =	sst s10  }
0x32: {  	s10 =	sld [smem:$0x3FB6];
	_ =	sdelay $0x3  }
0x33: {  	p0 =	seq.s32 s10, $0x1;
	s10 =	sld [smem:$0x3FB8];
	_ =	sdelay $0x3  }
0x34: {  	[smem:$0x3FB8] =	sst s10  }
0x35: {  	s10 =	sld [smem:$0x3FB7];
	_ =	sdelay $0x3  }
0x36: {  	p1 =	seq.s32 s10, $0x1;
	s10 =	sld [smem:$0x3FB8];
	_ =	sdelay $0x3  }
0x37: {  	[smem:$0x3FB8] =	sst s10  }
0x38: {  	s10 =	sld [smem:$0x3FB9]  }
0x39: {  	_ = 	snop;
	(pc) =	sbr.ind lr, $3  }
0x3a: {  	_ = 	snop  }
0x3b: {  	_ = 	snop  }
0x3c: {  	p2 =	seq.s32 s10, $0x1;
	s10 =	sld [smem:$0x3FB8]  }
0x3d: {  	_ =	shalt  }
0x3e: {  	_ =	shalt  }
0x3f: {  	_ =	shalt  }
0x40: {  	_ =	shalt  }
0x41: {  	_ =	shalt  }
0x42: {  	_ =	shalt  }
0x43: {  	_ =	shalt  }
0x44: {  	_ =	shalt  }
0x45: {  	_ =	shalt  }
0x46: {  	_ =	shalt  }
0x47: {  	_ =	shalt  }
0x48: {  	_ =	shalt  }
0x49: {  	_ =	shalt  }
0x4a: {  	_ =	shalt  }
0x4b: {  	_ =	shalt  }
0x4c: {  	_ =	shalt  }
0x4d: {  	_ =	shalt  }
0x4e: {  	_ =	shalt  }
0x4f: {  	_ =	shalt  }
0x50: {  	_ =	shalt  }
0x51: {  	_ =	shalt  }
0x52: {  	_ =	shalt  }
0x53: {  	_ =	shalt  }
0x54: {  	_ =	shalt  }
0x55: {  	_ =	shalt  }
0x56: {  	_ =	shalt  }
0x57: {  	_ =	shalt  }
0x58: {  	_ =	shalt  }
0x59: {  	_ =	shalt  }
0x5a: {  	_ =	shalt  }
0x5b: {  	_ =	shalt  }
0x5c: {  	_ =	shalt  }
0x5d: {  	_ =	shalt  }
0x5e: {  	_ =	shalt  }
0x5f: {  	_ =	shalt  }
0x60: {  	_ =	shalt  }
0x61: {  	_ =	shalt  }
0x62: {  	_ =	shalt  }
0x63: {  	_ =	shalt  }
0x64: {  	_ =	shalt  }
0x65: {  	_ =	shalt  }
0x66: {  	_ =	shalt  }
0x67: {  	_ =	shalt  }
0x68: {  	_ =	shalt  }
0x69: {  	_ =	shalt  }
0x6a: {  	_ =	shalt  }
0x6b: {  	_ =	shalt  }
0x6c: {  	_ =	shalt  }
0x6d: {  	_ =	shalt  }
0x6e: {  	_ =	shalt  }
0x6f: {  	_ =	shalt  }
0x70: {  	_ =	shalt  }
0x71: {  	_ =	shalt  }
0x72: {  	_ =	shalt  }
0x73: {  	_ =	shalt  }
0x74: {  	_ =	shalt  }
0x75: {  	_ =	shalt  }
0x76: {  	_ =	shalt  }
0x77: {  	_ =	shalt  }
0x78: {  	_ =	shalt  }
0x79: {  	_ =	shalt  }
0x7a: {  	_ =	shalt  }
0x7b: {  	_ =	shalt  }
0x7c: {  	_ =	shalt  }
0x7d: {  	_ =	shalt  }
0x7e: {  	_ =	shalt  }
0x7f: {  	_ =	shalt  }
0x80: {  	_ =	shalt  }
0x81: {  	_ =	shalt  }
0x82: {  	_ =	shalt  }
0x83: {  	_ =	shalt  }
0x84: {  	_ =	shalt  }
0x85: {  	_ =	shalt  }
0x86: {  	_ =	shalt  }
0x87: {  	_ =	shalt  }
.Lfunc_end0:
.L_simem_size_0:
called_computation_lowered:
.L_overlay_start_0:
0x88: {  	s2 =	sld [smem:$0x3FD9]  }
0x89: {  	s3 =	sld [smem:$0x3FFE];
	_ =	sdelay $0x1  }
0x8a: {  	s1 =	srdreg.scid  }
0x8b: {  	s0 =	sand.u32 $0x1, s1  }
0x8c: {  	s17 =	sshll.u32 s0, $0xA;
	s2 =	sadd.s32 s3, s2  }
0x8d: {  	s2 =	sadd.s32 s2, s17  }
0x8e: {  	[smem:$0x3FC4] =	sst s2  }
0x8f: {  	_ = 	snop  }
0x90: {  	s2 =	sld [smem:$0x3FC9]  }
0x91: {  	s18 =	sld [smem:$0x3FC6]  }
0x92: {  	s4 =	sld [smem:$0x3FD0];
	(tm) =	ssettm $0x1  }
0x93: {  	s5 =	sld [smem:$0x3FFB];
	_ =	sdelay $0x3  }
0x94: {  	_ =	strace s5  }
0x95: {  	s5 =	sld [smem:$0x3FFC];
	_ =	sdelay $0x3  }
0x96: {  	_ =	strace s5  }
0x97: {  	s5 =	sld [smem:$0x3FFD];
	_ =	sdelay $0x3  }
0x98: {  	_ =	strace s5  }
0x99: {  	_ =	strace $0x8FFFFFFF  }
0x9a: {  	s19 =	sld [smem:$0x3FDB];
	_ =	sdelay $0x1  }
0x9b: {  	s6 =	simm.s32 $_scs_section_size  }
0x9c: {  	s7 =	simm.s32 $_size__tile_overlayer_lowered;
	s8 =	simm.s32 $_tile_overlayer_lowered  }
0x9d: {  	s22 =	simm.s32 $0x1BFF;
	s21 =	sshll.u32 s8, $0x1;
	s5 =	sadd.s32 s6, s19  }
0x9e: {  	s9 =	simm.s32 $0x0;
	s20 =	sshll.u32 s7, $0x1;
	s7 =	sadd.s32 s21, s5  }
0x9f: {  	[timem:s9], [sflag:s22] =	dma.local [hbm:s7], s20  }
0xa0: {  	_ =	swait.ge [sflag:s22], s20  }
0xa1: {  	s6 =	ssub.s32 $0x0, s20;
	[sflag:s22] =	ssyncset.done $0x0  }
0xa2: {  	[sflag:s22] =	ssyncadd.s32 s6;
	_ =	sdelay $0x1  }
0xa3: {  	s23 =	simm.s32 $0x1B8B  }
0xa4: {  	_ =	swait.ge [sflag:s23], $0x1  }
0xa5: {  	[sflag:s23] =	ssyncset.done $0x0  }
0xa6: {  	s25 =	simm.s32 $0x1B8E;
	s24 =	sld [smem:$0x3FFE];
	[sflag:s23] =	ssyncadd.s32 $0xFFFFFFFF  }
0xa7: {  	s26 =	simm.s32 $execute0_lowered;
	[smem:$0x3FD2] =	sst s25  }
0xa8: {  	s7 =	sshll.u32 s26, $0x1;
	_ =	strace $0x80000046;
	[dreg:$0x1] =	wrdreg $0xFFFFFFFF  }
0xa9: {  	s28 =	simm.s32 $_size_execute0_lowered;
	s5 =	sadd.s32 s5, s7;
	[dreg:$0x0] =	wrdreg $0x0  }
0xaa: {  	s7 =	sshll.u32 s28, $0x1;
	[dreg:$0x2] =	wrdreg s5  }
0xab: {  	[dreg:$0x3] =	wrdreg s7  }
0xac: {  	[dreg:$0x4] =	wrdreg $0xC0  }
0xad: {  	_ =	task [dreg:s9], $0x5FFFF  }
0xae: {  	[dreg:$0x1] =	wrdreg $0xFFFFFFFF  }
0xaf: {  	[dreg:$0x0] =	wrdreg $0x60  }
0xb0: {  	[dreg:$0x2] =	wrdreg s2  }
0xb1: {  	[dreg:$0x3] =	wrdreg s24  }
0xb2: {  	[dreg:$0x4] =	wrdreg s18  }
0xb3: {  	[dreg:$0x5] =	wrdreg s4  }
0xb4: {  	[dreg:$0x6] =	wrdreg $0xA8000  }
0xb5: {  	[dreg:$0x7] =	wrdreg $0x9  }
0xb6: {  	_ =	task.clear_ibuf [dreg:s9], $0x8FFFF;
	_ =	strace $0x90000046  }
0xb7: {  	s29 =	simm.s32 $0x9;
	_ =	strace $0x80000048  }
0xb8: {  	_ =	swait.ge [sflag:s29], $0x1  }
0xb9: {  	[sflag:s29] =	ssyncadd.s32 $0xFFFFFFFF  }
0xba: {  	_ =	strace $0x90000048  }
0xbb: {  	_ =	sfence  }
0xbc: {  	s30 =	sld [smem:$0x0];
	_ =	sdelay $0x2  }
0xbd: {  	s31 =	sshll.u32 s1, $0xD;
	s1 =	sshrl.u32 s1, $0x2  }
0xbe: {  	s3 =	sand.u32 $0x4000, s31;
	s1 =	sadd.s32 s1, s30  }
0xbf: {  	s0 =	sor.u32 s3, s0;
	s1 =	sshll.u32 s1, $0x11  }
0xc0: {  	s0 =	sor.u32 s1, s0  }
0xc1: {  	s0 =	sadd.s32 $0x8F2B, s0  }
0xc2: {  	[sflag:s0] =	ssyncadd.remote.s32 $0x1  }
0xc3: {  	_ =	sfence.sel $0xFFFF  }
0xc4: {  	[dreg:$0x0] =	wrdreg $0xFFFFFFFF;
	(pc) =	sbr.abs _section_cstart, $3  }
0xc5: {  	[dreg:$0x1] =	wrdreg $0xFFFFFFFF  }
0xc6: {  	_ =	task.clear_ibuf [dreg:s9], $0x2FFFF;
	_ =	strace $0x9FFFFFFF  }
0xc7: {  	(tm) =	ssettm $0x7FFFFFFF  }
tec
execute0_lowered:
.L_overlay_start_1:
0x0: {  	(tag) =	ssettag $0x1  }
0x1: {  	s1 =	rddreg [dreg:$0x0]  }
0x2: {  	s0 =	rddreg [dreg:$0x1]  }
0x3: {  	s2 =	rddreg [dreg:$0x3]  }
0x4: {  	s3 =	rddreg [dreg:$0x4]  }
0x5: {  	s5 =	simm.s32 $0x0;
	s4 =	srdreg.scid;
	s14 =	stileid.u32  }
0x6: {  	s15 =	simm.s32 $0x40;
	s16 =	simm.s32 $0x2800;
	s17 =	simm.s32 $0x80  }
0x7: {  	s18 =	simm.s32 $0x4800;
	s19 =	simm.s32 $0x100;
	s20 =	simm.s32 $0x6800  }
0x8: {  	s21 =	simm.s32 $0x180;
	s22 =	simm.s32 $0x8800;
	s28 =	simm.s32 $0x2600  }
0x9: {  	s29 =	simm.s32 $0x2680;
	s30 =	simm.s32 $0x2700;
	s31 =	simm.s32 $0x2780  }
0xa: {  	[smem:$0x7FF] =	sst s5;
	s6 =	sadd.s32 $0x600, s0;
	s4 =	sand.u32 $0x1, s4  }
0xb: {  	s8 =	smul.u32 $0x4E000, s14;
	s7 =	sadd.s32 $0x14600, s0;
	s11 =	sshll.u32 s14, $0x1  }
0xc: {  	s12 =	smul.u32 $0x13800, s14;
	s24 =	sshll.u32 s14, $0x6;
	s14 =	simm.s32 $0x1400  }
0xd: {  	_ =	strace $0x80000047;
	s23 =	ssub.s32 $0x2, s4;
	s9 =	smul.u32 $0x138800, s4  }
0xe: {  	s4 =	sor.u32 s4, s11;
	s10 =	sshrl.u32 s23, $0x1;
	s8 =	sshrl.u32 s8, $0x2  }
0xf: {  	s0 =	ssub.s32 s23, s10;
	s13 =	sadd.s32 s8, s3;
	s25 =	sadd.s32 s12, s9  }
0x10: {  	s8 =	sor.u32 $0x1C05, s24;
	s9 =	smul.u32 $0x5000, s4;
	s23 =	simm.s32 $0x1  }
0x11: {  	s24 =	simm.s32 $0x2;
	s26 =	sshrl.u32 s25, $0x3;
	s11 =	smax.u32 s0, $0x1  }
0x12: {  	s12 =	sshrl.u32 s13, $0x3;
	s13 =	simm.s32 $0x5;
	s2 =	sadd.s32 s2, s26  }
0x13: {  	s25 =	simm.s32 $0x3;
	s26 =	simm.s32 $0x4;
	[dreg:$0x6] =	wrdreg s2  }
.LBB2_1:
0x14: {  	s0 =	rddreg [dreg:$0x2]  }
0x15: {  	[spmem:s12], [sflag:s8] =	dma.local [hbm:s0], $0x2800  }
0x16: {  	_ =	swait.ge [sflag:s13], $0x2800  }
0x17: {  	[sflag:s13] =	ssyncset.done $0x0  }
0x18: {  	[sflag:s13] =	ssyncadd.s32 $0xFFFFD800  }
0x19: {  	s0 =	simm.s32 $0x0;
	[bflag:$0x0] =	sbarrier.arrive $0xFFFF  }
.LBB2_2:
0x1a: {  	s2 =	smul.u32 $0x1400, s0;
	_ =	sdelay $0x1  }
0x1b: {  	s2 =	sadd.s32 s9, s2  }
0x1c: {  	s2 =	sshrl.u32 s2, $0x3  }
0x1d: {  	s10 =	simm.s32 $0x0;
	s4 =	sadd.s32 s6, s2  }
0x1e: {  	[tilespmem:s10], [sflag:$0x5] =	stream.linear.gather [hbm4b:s4+s10], $0x1400, $0x38;
	[tilespmem:$0x1E100] =	vst v63  }
0x1f: {  	_ =	swait.ge [sflag:s13], $0x1400  }
0x20: {  	[sflag:s13] =	ssyncset.done $0x0  }
0x21: {  	s2 =	sadd.s32 s7, s2;
	[sflag:s13] =	ssyncadd.s32 $0xFFFFEC00  }
0x22: {  	[tilespmem:s14], [sflag:$0x5] =	stream.linear.gather [hbm4b:s2+s10], $0x1400, $0x38;
	[tilespmem:$0x1E100] =	vst v63  }
0x23: {  	_ =	swait.ge [sflag:s13], $0x1400  }
0x24: {  	[sflag:s13] =	ssyncset.done $0x0  }
0x25: {  	[sflag:s13] =	ssyncadd.s32 $0xFFFFEC00  }
0x26: {  	[tilespmem:s16], [sflag:$0x1] =	stream.indirect.gather [hbm4b:s1+s15], $0x80, s10, s15, $0xb8;
	[tilespmem:$0x1E100] =	vst v63  }
0x27: {  	_ = 	snop  }
0x28: {  	[tilespmem:s18], [sflag:$0x2] =	stream.indirect.gather [hbm4b:s1+s15], $0x80, s17, s15, $0xb8;
	[tilespmem:$0x1E100] =	vst v63  }
0x29: {  	_ = 	snop  }
0x2a: {  	[tilespmem:s20], [sflag:$0x3] =	stream.indirect.gather [hbm4b:s1+s15], $0x80, s19, s15, $0xb8;
	[tilespmem:$0x1E100] =	vst v63  }
0x2b: {  	_ = 	snop  }
0x2c: {  	[tilespmem:s22], [sflag:$0x4] =	stream.indirect.gather [hbm4b:s1+s15], $0x80, s21, s15, $0xb8;
	[tilespmem:$0x1E100] =	vst v63  }
0x2d: {  	_ =	swait.ge [sflag:s23], $0x2000  }
0x2e: {  	[sflag:s23] =	ssyncset.done $0x0  }
0x2f: {  	s10 =	simm.s32 $0x1400;
	[sflag:s23] =	ssyncadd.s32 $0xFFFFE000  }
0x30: {  	[spmem:s3] =	stream.indirect.scatter.add.f32 [tilespmem:s16], [sflag:$0x5], $0x80, s10, s15, $0xb8;
	[tilespmem:$0x1E100] =	vst v63  }
0x31: {  	_ =	swait.ge [sflag:s13], $0x2000  }
0x32: {  	[sflag:s13] =	ssyncset.done $0x0  }
0x33: {  	s4 =	simm.s32 $0x200;
	[sflag:s13] =	ssyncadd.s32 $0xFFFFE000  }
0x34: {  	[tilespmem:s16], [sflag:$0x1] =	stream.indirect.gather [hbm4b:s1+s15], $0x80, s4, s15, $0xb8;
	[tilespmem:$0x1E100] =	vst v63  }
0x35: {  	_ =	swait.ge [sflag:s24], $0x2000  }
0x36: {  	[sflag:s24] =	ssyncset.done $0x0  }
0x37: {  	s10 =	simm.s32 $0x1480;
	[sflag:s24] =	ssyncadd.s32 $0xFFFFE000  }
0x38: {  	[spmem:s3] =	stream.indirect.scatter.add.f32 [tilespmem:s18], [sflag:$0x5], $0x80, s10, s15, $0xb8;
	[tilespmem:$0x1E100] =	vst v63  }
0x39: {  	_ =	swait.ge [sflag:s13], $0x2000  }
0x3a: {  	[sflag:s13] =	ssyncset.done $0x0  }
0x3b: {  	s4 =	simm.s32 $0x280;
	[sflag:s13] =	ssyncadd.s32 $0xFFFFE000  }
0x3c: {  	[tilespmem:s18], [sflag:$0x2] =	stream.indirect.gather [hbm4b:s1+s15], $0x80, s4, s15, $0xb8;
	[tilespmem:$0x1E100] =	vst v63  }
0x3d: {  	_ =	swait.ge [sflag:s25], $0x2000  }
0x3e: {  	[sflag:s25] =	ssyncset.done $0x0  }
0x3f: {  	s10 =	simm.s32 $0x1500;
	[sflag:s25] =	ssyncadd.s32 $0xFFFFE000  }
0x40: {  	[spmem:s3] =	stream.indirect.scatter.add.f32 [tilespmem:s20], [sflag:$0x5], $0x80, s10, s15, $0xb8;
	[tilespmem:$0x1E100] =	vst v63  }
0x41: {  	_ =	swait.ge [sflag:s13], $0x2000  }
0x42: {  	[sflag:s13] =	ssyncset.done $0x0  }
0x43: {  	s4 =	simm.s32 $0x300;
	[sflag:s13] =	ssyncadd.s32 $0xFFFFE000  }
0x44: {  	[tilespmem:s20], [sflag:$0x3] =	stream.indirect.gather [hbm4b:s1+s15], $0x80, s4, s15, $0xb8;
	[tilespmem:$0x1E100] =	vst v63  }
0x45: {  	_ =	swait.ge [sflag:s26], $0x2000  }
0x46: {  	[sflag:s26] =	ssyncset.done $0x0  }
0x47: {  	s10 =	simm.s32 $0x1580;
	[sflag:s26] =	ssyncadd.s32 $0xFFFFE000  }
0x48: {  	[spmem:s3] =	stream.indirect.scatter.add.f32 [tilespmem:s22], [sflag:$0x5], $0x80, s10, s15, $0xb8;
	[tilespmem:$0x1E100] =	vst v63  }
0x49: {  	_ =	swait.ge [sflag:s13], $0x2000  }
0x4a: {  	[sflag:s13] =	ssyncset.done $0x0  }
0x4b: {  	s2 =	simm.s32 $0x380;
	s4 =	simm.s32 $0x800;
	[sflag:s13] =	ssyncadd.s32 $0xFFFFE000  }
.LBB2_3:
0x4c: {  	[tilespmem:s22], [sflag:$0x4] =	stream.indirect.gather [hbm4b:s1+s15], $0x80, s2, s15, $0xb8;
	[tilespmem:$0x1E100] =	vst v63  }
0x4d: {  	s2 =	smov.u32 s4  }
0x4e: {  	p0 =	sne.s32 s4, $0x4000;
	s4 =	sadd.s32 $0x800, s4;
	_ =	swait.ge [sflag:s23], $0x2000  }
0x4f: {  	s2 =	sshra.s32 s2, $0x2;
	[sflag:s23] =	ssyncset.done $0x0  }
0x50: {  	s10 =	sadd.s32 $0x1400, s2;
	[sflag:s23] =	ssyncadd.s32 $0xFFFFE000  }
0x51: {  	[spmem:s3] =	stream.indirect.scatter.add.f32 [tilespmem:s16], [sflag:$0x5], $0x80, s10, s15, $0xb8;
	[tilespmem:$0x1E100] =	vst v63  }
0x52: {  	_ =	swait.ge [sflag:s13], $0x2000  }
0x53: {  	[sflag:s13] =	ssyncset.done $0x0  }
0x54: {  	s10 =	sadd.s32 $0x200, s2;
	[sflag:s13] =	ssyncadd.s32 $0xFFFFE000  }
0x55: {  	[tilespmem:s16], [sflag:$0x1] =	stream.indirect.gather [hbm4b:s1+s15], $0x80, s10, s15, $0xb8;
	[tilespmem:$0x1E100] =	vst v63  }
0x56: {  	_ =	swait.ge [sflag:s24], $0x2000  }
0x57: {  	[sflag:s24] =	ssyncset.done $0x0  }
0x58: {  	s10 =	sadd.s32 $0x1480, s2;
	[sflag:s24] =	ssyncadd.s32 $0xFFFFE000  }
0x59: {  	[spmem:s3] =	stream.indirect.scatter.add.f32 [tilespmem:s18], [sflag:$0x5], $0x80, s10, s15, $0xb8;
	[tilespmem:$0x1E100] =	vst v63  }
0x5a: {  	_ =	swait.ge [sflag:s13], $0x2000  }
0x5b: {  	[sflag:s13] =	ssyncset.done $0x0  }
0x5c: {  	s10 =	sadd.s32 $0x280, s2;
	[sflag:s13] =	ssyncadd.s32 $0xFFFFE000  }
0x5d: {  	[tilespmem:s18], [sflag:$0x2] =	stream.indirect.gather [hbm4b:s1+s15], $0x80, s10, s15, $0xb8;
	[tilespmem:$0x1E100] =	vst v63  }
0x5e: {  	_ =	swait.ge [sflag:s25], $0x2000  }
0x5f: {  	[sflag:s25] =	ssyncset.done $0x0  }
0x60: {  	s10 =	sadd.s32 $0x1500, s2;
	[sflag:s25] =	ssyncadd.s32 $0xFFFFE000  }
0x61: {  	[spmem:s3] =	stream.indirect.scatter.add.f32 [tilespmem:s20], [sflag:$0x5], $0x80, s10, s15, $0xb8;
	[tilespmem:$0x1E100] =	vst v63  }
0x62: {  	_ =	swait.ge [sflag:s13], $0x2000  }
0x63: {  	[sflag:s13] =	ssyncset.done $0x0  }
0x64: {  	s10 =	sadd.s32 $0x300, s2;
	[sflag:s13] =	ssyncadd.s32 $0xFFFFE000  }
0x65: {  	[tilespmem:s20], [sflag:$0x3] =	stream.indirect.gather [hbm4b:s1+s15], $0x80, s10, s15, $0xb8;
	[tilespmem:$0x1E100] =	vst v63  }
0x66: {  	_ =	swait.ge [sflag:s26], $0x2000  }
0x67: {  	[sflag:s26] =	ssyncset.done $0x0  }
.Ltmp0:
0x68: {  	s10 =	sadd.s32 $0x1580, s2;
	[sflag:s26] =	ssyncadd.s32 $0xFFFFE000;
	(pc) =	sbr.rel @p0 .LBB2_3-.Ltmp0, $4  }
0x69: {  	[spmem:s3] =	stream.indirect.scatter.add.f32 [tilespmem:s22], [sflag:$0x5], $0x80, s10, s15, $0xb8;
	[tilespmem:$0x1E100] =	vst v63  }
0x6a: {  	_ =	swait.ge [sflag:s13], $0x2000  }
0x6b: {  	[sflag:s13] =	ssyncset.done $0x0  }
0x6c: {  	s2 =	sadd.s32 $0x380, s2;
	[sflag:s13] =	ssyncadd.s32 $0xFFFFE000  }
0x6d: {  	[tilespmem:s22], [sflag:$0x4] =	stream.indirect.gather [hbm4b:s1+s15], $0x80, s2, s15, $0xb8;
	[tilespmem:$0x1E100] =	vst v63  }
0x6e: {  	_ =	swait.ge [sflag:s23], $0x2000  }
0x6f: {  	[sflag:s23] =	ssyncset.done $0x0  }
0x70: {  	[sflag:s23] =	ssyncadd.s32 $0xFFFFE000  }
0x71: {  	[spmem:s3] =	stream.indirect.scatter.add.f32 [tilespmem:s16], [sflag:$0x5], $0x80, s28, s15, $0xb8;
	[tilespmem:$0x1E100] =	vst v63  }
0x72: {  	_ =	swait.ge [sflag:s13], $0x2000  }
0x73: {  	[sflag:s13] =	ssyncset.done $0x0  }
0x74: {  	[sflag:s13] =	ssyncadd.s32 $0xFFFFE000  }
0x75: {  	_ =	swait.ge [sflag:s24], $0x2000  }
0x76: {  	[sflag:s24] =	ssyncset.done $0x0  }
0x77: {  	[sflag:s24] =	ssyncadd.s32 $0xFFFFE000  }
0x78: {  	[spmem:s3] =	stream.indirect.scatter.add.f32 [tilespmem:s18], [sflag:$0x5], $0x80, s29, s15, $0xb8;
	[tilespmem:$0x1E100] =	vst v63  }
0x79: {  	_ =	swait.ge [sflag:s13], $0x2000  }
0x7a: {  	[sflag:s13] =	ssyncset.done $0x0  }
0x7b: {  	[sflag:s13] =	ssyncadd.s32 $0xFFFFE000  }
0x7c: {  	_ =	swait.ge [sflag:s25], $0x2000  }
0x7d: {  	[sflag:s25] =	ssyncset.done $0x0  }
0x7e: {  	[sflag:s25] =	ssyncadd.s32 $0xFFFFE000  }
0x7f: {  	[spmem:s3] =	stream.indirect.scatter.add.f32 [tilespmem:s20], [sflag:$0x5], $0x80, s30, s15, $0xb8;
	[tilespmem:$0x1E100] =	vst v63  }
0x80: {  	_ =	swait.ge [sflag:s13], $0x2000  }
0x81: {  	[sflag:s13] =	ssyncset.done $0x0  }
0x82: {  	[sflag:s13] =	ssyncadd.s32 $0xFFFFE000  }
0x83: {  	s0 =	sadd.s32 $0x1, s0;
	_ =	swait.ge [sflag:s26], $0x2000  }
0x84: {  	p0 =	sne.s32 s0, $0x4;
	[sflag:s26] =	ssyncset.done $0x0  }
.Ltmp1:
0x85: {  	[sflag:s26] =	ssyncadd.s32 $0xFFFFE000;
	(pc) =	sbr.rel @p0 .LBB2_2-.Ltmp1, $4  }
0x86: {  	[spmem:s3] =	stream.indirect.scatter.add.f32 [tilespmem:s22], [sflag:$0x5], $0x80, s31, s15, $0xb8;
	[tilespmem:$0x1E100] =	vst v63  }
0x87: {  	_ =	swait.ge [sflag:s13], $0x2000  }
0x88: {  	[sflag:s13] =	ssyncset.done $0x0  }
0x89: {  	[sflag:s13] =	ssyncadd.s32 $0xFFFFE000  }
0x8a: {  	s5 =	sadd.s32 $0x1, s5  }
0x8b: {  	[bflag:$0x0] =	sbarrier.arrive $0xFFFF;
	p0 =	sne.s32 s5, s11  }
.Ltmp2:
0x8c: {  	s0 =	rddreg [dreg:$0x6];
	(pc) =	sbr.rel @p0 .LBB2_1-.Ltmp2, $4  }
0x8d: {  	[hbm:s0], [sflag:s8] =	dma.local [spmem:s12], $0x2800  }
0x8e: {  	_ =	swait.ge [sflag:s13], $0x2800  }
0x8f: {  	[sflag:s13] =	ssyncset.done $0x0  }
0x90: {  	[sflag:s13] =	ssyncadd.s32 $0xFFFFD800  }
0x91: {  	_ =	sfence.sel $0x180000  }
0x92: {  	[bflag:$0x0] =	sbarrier.arrive $0xFFFF  }
0x93: {  	_ =	strace $0x90000047  }
0x94: {  	s0 =	stileid.u32;
	[bflag:$0x2] =	sbarrier.arrive $0xFFFF  }
0x95: {  	p0 =	sne.s32 s0, $0x0;
	s0 =	rddreg [dreg:$0x5]  }
0x96: {  	s0 =	sadd.s32 @!p0 $0x100000, s0  }
0x97: {  	[sflag:s0] =	ssyncadd.tile.s32 @!p0 $0x1;
	_ =	shalt  }
.Lfunc_end2:
_tile_overlayer_lowered:
.L_overlay_start_2:
0x98: {  	(tag) =	ssettag $0x2  }
0x99: {  	s0 =	rddreg [dreg:$0x0];
	s2 =	stileid.u32  }
0x9a: {  	s1 =	rddreg [dreg:$0x1];
	p0 =	sne.s32 s2, $0x0  }
0x9b: {  	s3 =	rddreg [dreg:$0x2];
	[bflag:$0x3] =	sbarrier.arrive $0xFFFF;
	s2 =	simm.s32 @!p0 $0x1C05  }
0x9c: {  	[timem:s3], [sflag:s2] =	dma.local @!p0 [hbm:s0], s1  }
0x9d: {  	s0 =	simm.s32 @!p0 $0x5  }
0x9e: {  	_ =	swait.ge @!p0 [sflag:s0], s1  }
0x9f: {  	s1 =	ssub.s32 @!p0 $0x0, s1;
	[sflag:s0] =	ssyncset.done @!p0 $0x0  }
0xa0: {  	[sflag:s0] =	ssyncadd.s32 @!p0 s1  }
0xa1: {  	[bflag:$0x3] =	sbarrier.arrive $0xFFFF  }
0xa2: {  	_ =	shalt  }

</sc_bundles>
